<compile_context>
chip_gen: v7x
topology: tpu7x:2x2x1
jax: 0.10.2.dev20260603
libtpu: 0.0.44.dev20260713+nightly
codegen_flags: <defaults>
</compile_context>

<pallas_src>
import functools

import jax
import jax.numpy as jnp
from jax import lax
from jax.experimental import pallas as pl
from jax.experimental.pallas import tpu as pltpu
from jax.experimental.pallas import tpu_sc as plsc

N = 10000
D = 256
HD = D // 2
E = 160000
NC = 2
NS = 16
W = 128

EPT_DEG = E // (NC * NS)
NW_DEG = -(-EPT_DEG // W)
PAD_DEG = NW_DEG * W - EPT_DEG
NPAD = 10240
RPT_DEG = NPAD // NS

EPT = E // NS
WA = 64
NW_AGG = 158
PAD_AGG = NW_AGG * WA - EPT
NZ = N + 8
RPT = 632
RPT_LAST = N - 15 * RPT

_sc_mesh = plsc.VectorSubcoreMesh(core_axis_name="c", subcore_axis_name="s")


@functools.partial(
    pl.kernel,
    out_type=jax.ShapeDtypeStruct((NC, 1, NPAD), jnp.float32),
    mesh=_sc_mesh,
    scratch_types=[
        pltpu.VMEM((NW_DEG, W), jnp.int32),
        pltpu.VMEM((W,), jnp.float32),
        pltpu.VMEM((RPT_DEG,), jnp.float32),
        pltpu.VMEM_SHARED((NPAD,), jnp.float32),
        pltpu.SemaphoreType.DMA,
    ],
)
def _deg(dst_hbm, ones_hbm, zer_hbm, deg_hbm, dst_v, ones_v, zer_v, deg_sh, sem):
    c = lax.axis_index("c")
    s = lax.axis_index("s")
    pltpu.sync_copy(zer_hbm, zer_v)
    pltpu.sync_copy(zer_v, deg_sh.at[pl.ds(s * RPT_DEG, RPT_DEG)])
    pltpu.sync_copy(ones_hbm, ones_v)
    pltpu.sync_copy(dst_hbm.at[c, s], dst_v)
    plsc.subcore_barrier()

    @pl.loop(0, NW_DEG)
    def _(w):
        pltpu.sync_copy(ones_v, deg_sh.at[dst_v.at[w]], add=True)

    plsc.subcore_barrier()
    pltpu.sync_copy(deg_sh.at[pl.ds(s * RPT_DEG, RPT_DEG)],
                    deg_hbm.at[c, 0, pl.ds(s * RPT_DEG, RPT_DEG)])


@functools.partial(
    pl.kernel,
    out_type=jax.ShapeDtypeStruct((NC, N, HD), jnp.float32),
    mesh=_sc_mesh,
    scratch_types=[
        pltpu.VMEM((WA,), jnp.int32),
        pltpu.VMEM((WA,), jnp.int32),
        pltpu.VMEM((WA,), jnp.int32),
        pltpu.VMEM((WA,), jnp.int32),
        pltpu.VMEM((WA, HD), jnp.float32),
        pltpu.VMEM((WA, HD), jnp.float32),
        pltpu.VMEM_SHARED((NZ, HD), jnp.float32),
        pltpu.SemaphoreType.DMA,
        pltpu.SemaphoreType.DMA,
        pltpu.SemaphoreType.DMA,
        pltpu.SemaphoreType.DMA,
    ],
)
def _agg(y_hbm, src_hbm, dst_hbm, zer_hbm, z_hbm,
         src0, src1, da0, da1, r0, r1, z_sh, sg0, sg1, si0, si1):
    c = lax.axis_index("c")
    s = lax.axis_index("s")
    srcs, das, rows = [src0, src1], [da0, da1], [r0, r1]
    sgs, sis = [sg0, sg1], [si0, si1]

    @pl.when(s < 15)
    def _():
        pltpu.sync_copy(zer_hbm, z_sh.at[pl.ds(s * RPT, RPT)])

    @pl.when(s == 15)
    def _():
        pltpu.sync_copy(zer_hbm.at[pl.ds(0, RPT_LAST + 8)],
                        z_sh.at[pl.ds(15 * RPT, RPT_LAST + 8)])

    plsc.subcore_barrier()

    for b in range(2):
        pltpu.sync_copy(src_hbm.at[c, s, b, 0], srcs[b])
        pltpu.sync_copy(dst_hbm.at[s, b, 0], das[b])
        pltpu.async_copy(y_hbm.at[srcs[b]], rows[b], sgs[b])

    @pl.loop(0, NW_AGG // 2)
    def _(k):
        for b in range(2):
            w = 2 * k + b
            pltpu.make_async_copy(y_hbm.at[srcs[b]], rows[b], sgs[b]).wait()

            @pl.when(w + 2 < NW_AGG)
            def _(b=b, w=w):
                pltpu.async_copy(src_hbm.at[c, s, w + 2, 0], srcs[b], sis[b])

            pltpu.sync_copy(rows[b], z_sh.at[das[b]], add=True)

            @pl.when(w + 2 < NW_AGG)
            def _(b=b, w=w):
                pltpu.sync_copy(dst_hbm.at[s, w + 2, 0], das[b])
                pltpu.make_async_copy(src_hbm.at[c, s, w + 2, 0], srcs[b],
                                      sis[b]).wait()
                pltpu.async_copy(y_hbm.at[srcs[b]], rows[b], sgs[b])

    plsc.subcore_barrier()

    @pl.when(s < 15)
    def _():
        pltpu.sync_copy(z_sh.at[pl.ds(s * RPT, RPT)],
                        z_hbm.at[c, pl.ds(s * RPT, RPT)])

    @pl.when(s == 15)
    def _():
        pltpu.sync_copy(z_sh.at[pl.ds(15 * RPT, RPT_LAST)],
                        z_hbm.at[c, pl.ds(15 * RPT, RPT_LAST)])


BM = 2000


def _mm1_body(x_ref, w_ref, degt_ref, o_ref):
    dv = lax.rsqrt(degt_ref[:, 0:1] + degt_ref[:, 1:2] + 1.0)
    o_ref[...] = jnp.dot(x_ref[...], w_ref[...],
                         preferred_element_type=jnp.float32) * dv


def _mm1(x, w, degt):
    return pl.pallas_call(
        _mm1_body,
        grid=(N // BM, 2),
        in_specs=[
            pl.BlockSpec((BM, D), lambda i, j: (i, 0)),
            pl.BlockSpec((D, HD), lambda i, j: (0, j)),
            pl.BlockSpec((BM, 2), lambda i, j: (i, 0)),
        ],
        out_specs=pl.BlockSpec((BM, HD), lambda i, j: (j * (N // BM) + i, 0)),
        out_shape=jax.ShapeDtypeStruct((NC * N, HD), jnp.float32),
    )(x, w, degt)


def _mid_body(z_ref, y_ref, degt_ref, b_ref, w_ref, o_ref):
    dv = lax.rsqrt(degt_ref[:, 0:1] + degt_ref[:, 1:2] + 1.0)
    h0 = jax.nn.sigmoid(dv * (z_ref[0] + y_ref[0]) + b_ref[0:1, 0:HD])
    h1 = jax.nn.sigmoid(dv * (z_ref[1] + y_ref[1]) + b_ref[0:1, HD:D])
    h = jnp.concatenate([h0, h1], axis=1)
    o_ref[...] = jnp.dot(h, w_ref[...],
                         preferred_element_type=jnp.float32) * dv


def _mid(z, y, degt, b, w):
    return pl.pallas_call(
        _mid_body,
        grid=(N // BM, 2),
        in_specs=[
            pl.BlockSpec((NC, BM, HD), lambda i, j: (0, i, 0)),
            pl.BlockSpec((NC, BM, HD), lambda i, j: (0, i, 0)),
            pl.BlockSpec((BM, 2), lambda i, j: (i, 0)),
            pl.BlockSpec((1, D), lambda i, j: (0, 0)),
            pl.BlockSpec((D, HD), lambda i, j: (0, j)),
        ],
        out_specs=pl.BlockSpec((BM, HD), lambda i, j: (j * (N // BM) + i, 0)),
        out_shape=jax.ShapeDtypeStruct((NC * N, HD), jnp.float32),
    )(z, y, degt, b, w)


def _head_body(z_ref, y_ref, degt_ref, b_ref, wl_ref, bl_ref, o_ref, acc_ref):
    i = pl.program_id(0)
    dv = lax.rsqrt(degt_ref[:, 0:1] + degt_ref[:, 1:2] + 1.0)
    h0 = jax.nn.sigmoid(dv * (z_ref[0] + y_ref[0]) + b_ref[0:1, 0:HD])
    h1 = jax.nn.sigmoid(dv * (z_ref[1] + y_ref[1]) + b_ref[0:1, HD:D])
    cs = jnp.concatenate([jnp.sum(h0, axis=0, keepdims=True),
                          jnp.sum(h1, axis=0, keepdims=True)], axis=1)

    @pl.when(i == 0)
    def _():
        acc_ref[...] = cs

    @pl.when(i > 0)
    def _():
        acc_ref[...] = acc_ref[...] + cs

    @pl.when(i == N // BM - 1)
    def _():
        m = acc_ref[...] * (1.0 / N)
        o_ref[...] = jax.nn.sigmoid(
            jnp.dot(m, wl_ref[...], preferred_element_type=jnp.float32)
            + bl_ref[...])


def _head(z, y, degt, b, wl, bl):
    return pl.pallas_call(
        _head_body,
        grid=(N // BM,),
        in_specs=[
            pl.BlockSpec((NC, BM, HD), lambda i: (0, i, 0)),
            pl.BlockSpec((NC, BM, HD), lambda i: (0, i, 0)),
            pl.BlockSpec((BM, 2), lambda i: (i, 0)),
            pl.BlockSpec((1, D), lambda i: (0, 0)),
            pl.BlockSpec((D, 1), lambda i: (0, 0)),
            pl.BlockSpec((1, 1), lambda i: (0, 0)),
        ],
        out_specs=pl.BlockSpec((1, 1), lambda i: (0, 0)),
        out_shape=jax.ShapeDtypeStruct((1, 1), jnp.float32),
        scratch_shapes=[pltpu.VMEM((1, D), jnp.float32)],
    )(z, y, degt, b, wl, bl)


def kernel(x, pos_edge_index, edge_attr, W1, b1, W2, b2, Wl, bl):
    src = pos_edge_index[0].astype(jnp.int32)
    dst = pos_edge_index[1].astype(jnp.int32)

    dd = jnp.concatenate(
        [dst.reshape(NC * NS, EPT_DEG),
         jnp.full((NC * NS, PAD_DEG), N, jnp.int32)], axis=1)
    dst4 = dd.reshape(NC, NS, NW_DEG, W)
    ones_w = jnp.ones((W,), jnp.float32)
    zer_deg = jnp.zeros((RPT_DEG,), jnp.float32)
    degp = _deg(dst4, ones_w, zer_deg)
    degt = degp[:, 0, :N].T

    src2 = jnp.concatenate(
        [src.reshape(NS, EPT), jnp.zeros((NS, PAD_AGG), jnp.int32)], axis=1)
    coff = (jnp.arange(NC, dtype=jnp.int32) * N)[:, None, None]
    srcp = (src2[None] + coff).reshape(NC, NS, NW_AGG, 1, WA)
    dstp = jnp.concatenate(
        [dst.reshape(NS, EPT), jnp.full((NS, PAD_AGG), N, jnp.int32)],
        axis=1).reshape(NS, NW_AGG, 1, WA)
    zer_agg = jnp.zeros((RPT, HD), jnp.float32)

    y1 = _mm1(x, W1, degt)

    bs = jnp.stack([b1.reshape(1, D), b2.reshape(1, D)])
    ws = jnp.stack([W2, W2])
    lasts = jnp.arange(2, dtype=jnp.int32)

    def body(carry, xs):
        y, _, _ = carry
        b, w, last = xs
        z = _agg(y, srcp, dstp, zer_agg)
        y_next = lax.cond(
            last > 0,
            lambda: y,
            lambda: _mid(z, y.reshape(NC, N, HD), degt, b, w
                         ).reshape(NC * N, HD))
        return (y_next, z, y), None

    zinit = jnp.zeros((NC, N, HD), jnp.float32)
    (_, z2, y2), _ = jax.lax.scan(body, (y1, zinit, y1), (bs, ws, lasts))
    out = _head(z2, y2.reshape(NC, N, HD), degt, b2.reshape(1, D),
                Wl, bl.reshape(1, 1))
    return out.reshape(1)

# --- scband reference (transcript-rebuilt; emitter-appended) ---
"""Pipeline reference for scband-gcndiscriminator-60352880443429 (READ-ONLY COPY).

The authoritative reference and input builder live on the scoring server;
editing this copy changes nothing except your own understanding.
"""

import jax, jax.numpy as jnp
import numpy as np

N = 10000
E = 160000
D = 256
D_EDGE = 16


def setup_inputs(seed: int = 0) -> dict:
    key = jax.random.key(seed)
    ks = jax.random.split(key, 9)
    x = jax.random.normal(ks[0], (N, D), dtype=jnp.float32)
    pos_edge_index = jax.random.randint(ks[1], (2, E), 0, N)
    edge_attr = jax.random.normal(ks[2], (E, D_EDGE), dtype=jnp.float32)
    s = 1.0 / np.sqrt(D)
    W1 = jax.random.normal(ks[3], (D, D), dtype=jnp.float32) * s
    b1 = jnp.zeros((D,), dtype=jnp.float32)
    W2 = jax.random.normal(ks[4], (D, D), dtype=jnp.float32) * s
    b2 = jnp.zeros((D,), dtype=jnp.float32)
    Wl = jax.random.normal(ks[5], (D, 1), dtype=jnp.float32) * s
    bl = jnp.zeros((1,), dtype=jnp.float32)
    return {"x": x, "pos_edge_index": pos_edge_index, "edge_attr": edge_attr,
            "W1": W1, "b1": b1, "W2": W2, "b2": b2, "Wl": Wl, "bl": bl}


def _gcn_conv(x, src, dst, W, b, num_nodes):
    # GCNConv: x' = D^{-1/2} (A + I) D^{-1/2} (x W) + b  (self-loops already in src/dst)
    xw = x @ W
    deg = jnp.zeros((num_nodes,), dtype=x.dtype).at[dst].add(1.0)
    dis = jnp.where(deg > 0, jax.lax.rsqrt(jnp.maximum(deg, 1e-12)), 0.0)
    norm = dis[src] * dis[dst]
    msgs = xw[src] * norm[:, None]
    out = jax.ops.segment_sum(msgs, dst, num_segments=num_nodes)
    return out + b


def reference(x, pos_edge_index, edge_attr, W1, b1, W2, b2, Wl, bl):
    n = x.shape[0]
    loop = jnp.arange(n, dtype=pos_edge_index.dtype)
    src = jnp.concatenate([pos_edge_index[0], loop])
    dst = jnp.concatenate([pos_edge_index[1], loop])
    x1 = jax.nn.sigmoid(_gcn_conv(x, src, dst, W1, b1, n))
    # F.dropout(training=self.training) -> identity in eval mode
    x2 = jax.nn.sigmoid(_gcn_conv(x1, src, dst, W2, b2, n))
    x3 = jnp.mean(x2, axis=0)
    return jax.nn.sigmoid(x3 @ Wl + bl)

if __name__ == "__main__":
    import jax
    _d = setup_inputs()
    print(jax.jit(kernel)(*tuple(_d.values())))

</pallas_src>

<mosaic_0001>
#map = affine_map<(d0, d1) -> (0, 0, 0, 0)>
#map1 = affine_map<(d0, d1) -> (0)>
#map2 = affine_map<(d0, d1) -> (0, 0, 0)>
module attributes {stable_mosaic.version = 14 : i64} {
  func.func @_deg(%arg0: i32, %arg1: i32, %arg2: memref<2x16x40x128xi32, #tpu.memory_space<hbm>>, %arg3: memref<128xf32, #tpu.memory_space<hbm>>, %arg4: memref<640xf32, #tpu.memory_space<hbm>>, %arg5: memref<2x1x10240xf32, #tpu.memory_space<hbm>>, %arg6: memref<40x128xi32, #tpu.memory_space<vmem>>, %arg7: memref<128xf32, #tpu.memory_space<vmem>>, %arg8: memref<640xf32, #tpu.memory_space<vmem>>, %arg9: memref<10240xf32, #tpu.memory_space<vmem_shared>>, %arg10: memref<!tpu.dma_semaphore, #tpu.memory_space<semaphore_mem>>) attributes {dimension_semantics = [#tpu.dimension_semantics<core_parallel>, #tpu.dimension_semantics<subcore_parallel>], iteration_bounds = array<i64: 2, 16>, scalar_prefetch = 0 : i64, scratch_operands = 5 : i64, tpu.core_type = #tpu.core_type<sc_vector_subcore>, window_params = [{transform_indices = #map}, {transform_indices = #map1}, {transform_indices = #map1}, {transform_indices = #map2}]} {
    "tpu.region"() ({
      %run_scoped3A_10 = tpu.sem_alloc : memref<!tpu.dma_semaphore, #tpu.memory_space<semaphore_mem>>
      tpu.enqueue_dma source(%arg4 : memref<640xf32, #tpu.memory_space<hbm>>) target(%arg8 : memref<640xf32, #tpu.memory_space<vmem>>) target_semaphore(%run_scoped3A_10 : memref<!tpu.dma_semaphore, #tpu.memory_space<semaphore_mem>>)
      tpu.wait_dma2 semaphore(%run_scoped3A_10 : memref<!tpu.dma_semaphore, #tpu.memory_space<semaphore_mem>>) src(%arg4 : memref<640xf32, #tpu.memory_space<hbm>>) dst(%arg8 : memref<640xf32, #tpu.memory_space<vmem>>)
      tpu.yield
    }) : () -> ()
    %mul3A = arith.constant 640 : i32
    %mul3A_0 = arith.muli %arg1, %mul3A : i32
    "tpu.region"() ({
      %run_scoped3A_10 = tpu.sem_alloc : memref<!tpu.dma_semaphore, #tpu.memory_space<semaphore_mem>>
      %dma_start3A = tpu.memref_slice %arg9[%mul3A_0] : memref<10240xf32, #tpu.memory_space<vmem_shared>> -> memref<640xf32, #tpu.memory_space<vmem_shared>>
      %dma_start3A_11 = tpu.memref_slice %arg9[%mul3A_0] : memref<10240xf32, #tpu.memory_space<vmem_shared>> -> memref<640xf32, #tpu.memory_space<vmem_shared>>
      tpu.enqueue_dma source(%arg8 : memref<640xf32, #tpu.memory_space<vmem>>) target(%dma_start3A_11 : memref<640xf32, #tpu.memory_space<vmem_shared>>) target_semaphore(%run_scoped3A_10 : memref<!tpu.dma_semaphore, #tpu.memory_space<semaphore_mem>>)
      %dma_wait3A = tpu.memref_slice %arg9[%mul3A_0] : memref<10240xf32, #tpu.memory_space<vmem_shared>> -> memref<640xf32, #tpu.memory_space<vmem_shared>>
      %dma_wait3A_12 = tpu.memref_slice %arg9[%mul3A_0] : memref<10240xf32, #tpu.memory_space<vmem_shared>> -> memref<640xf32, #tpu.memory_space<vmem_shared>>
      tpu.wait_dma2 semaphore(%run_scoped3A_10 : memref<!tpu.dma_semaphore, #tpu.memory_space<semaphore_mem>>) src(%arg8 : memref<640xf32, #tpu.memory_space<vmem>>) dst(%dma_wait3A_12 : memref<640xf32, #tpu.memory_space<vmem_shared>>)
      tpu.yield
    }) : () -> ()
    "tpu.region"() ({
      %run_scoped3A_10 = tpu.sem_alloc : memref<!tpu.dma_semaphore, #tpu.memory_space<semaphore_mem>>
      tpu.enqueue_dma source(%arg3 : memref<128xf32, #tpu.memory_space<hbm>>) target(%arg7 : memref<128xf32, #tpu.memory_space<vmem>>) target_semaphore(%run_scoped3A_10 : memref<!tpu.dma_semaphore, #tpu.memory_space<semaphore_mem>>)
      tpu.wait_dma2 semaphore(%run_scoped3A_10 : memref<!tpu.dma_semaphore, #tpu.memory_space<semaphore_mem>>) src(%arg3 : memref<128xf32, #tpu.memory_space<hbm>>) dst(%arg7 : memref<128xf32, #tpu.memory_space<vmem>>)
      tpu.yield
    }) : () -> ()
    "tpu.region"() ({
      %run_scoped3A_10 = tpu.sem_alloc : memref<!tpu.dma_semaphore, #tpu.memory_space<semaphore_mem>>
      %dma_start3A = arith.constant 0 : i32
      %dma_start3A_11 = arith.constant 0 : i32
      %dma_start3A_12 = tpu.memref_slice %arg2[%arg0, %arg1, %dma_start3A, %dma_start3A_11] : memref<2x16x40x128xi32, #tpu.memory_space<hbm>> -> memref<1x1x40x128xi32, #tpu.memory_space<hbm>>
      %dma_start3A_13 = tpu.memref_squeeze %dma_start3A_12 : memref<1x1x40x128xi32, #tpu.memory_space<hbm>> -> memref<40x128xi32, #tpu.memory_space<hbm>>
      %dma_start3A_14 = arith.constant 0 : i32
      %dma_start3A_15 = arith.constant 0 : i32
      %dma_start3A_16 = tpu.memref_slice %arg2[%arg0, %arg1, %dma_start3A_14, %dma_start3A_15] : memref<2x16x40x128xi32, #tpu.memory_space<hbm>> -> memref<1x1x40x128xi32, #tpu.memory_space<hbm>>
      %dma_start3A_17 = tpu.memref_squeeze %dma_start3A_16 : memref<1x1x40x128xi32, #tpu.memory_space<hbm>> -> memref<40x128xi32, #tpu.memory_space<hbm>>
      tpu.enqueue_dma source(%dma_start3A_17 : memref<40x128xi32, #tpu.memory_space<hbm>>) target(%arg6 : memref<40x128xi32, #tpu.memory_space<vmem>>) target_semaphore(%run_scoped3A_10 : memref<!tpu.dma_semaphore, #tpu.memory_space<semaphore_mem>>)
      %dma_wait3A = arith.constant 0 : i32
      %dma_wait3A_18 = arith.constant 0 : i32
      %dma_wait3A_19 = tpu.memref_slice %arg2[%arg0, %arg1, %dma_wait3A, %dma_wait3A_18] : memref<2x16x40x128xi32, #tpu.memory_space<hbm>> -> memref<1x1x40x128xi32, #tpu.memory_space<hbm>>
      %dma_wait3A_20 = tpu.memref_squeeze %dma_wait3A_19 : memref<1x1x40x128xi32, #tpu.memory_space<hbm>> -> memref<40x128xi32, #tpu.memory_space<hbm>>
      %dma_wait3A_21 = arith.constant 0 : i32
      %dma_wait3A_22 = arith.constant 0 : i32
      %dma_wait3A_23 = tpu.memref_slice %arg2[%arg0, %arg1, %dma_wait3A_21, %dma_wait3A_22] : memref<2x16x40x128xi32, #tpu.memory_space<hbm>> -> memref<1x1x40x128xi32, #tpu.memory_space<hbm>>
      %dma_wait3A_24 = tpu.memref_squeeze %dma_wait3A_23 : memref<1x1x40x128xi32, #tpu.memory_space<hbm>> -> memref<40x128xi32, #tpu.memory_space<hbm>>
      tpu.wait_dma2 semaphore(%run_scoped3A_10 : memref<!tpu.dma_semaphore, #tpu.memory_space<semaphore_mem>>) src(%dma_wait3A_24 : memref<40x128xi32, #tpu.memory_space<hbm>>) dst(%arg6 : memref<40x128xi32, #tpu.memory_space<vmem>>)
      tpu.yield
    }) : () -> ()
    %barrier3A = arith.constant 0 : index
    tpu.barrier barrier_id(%barrier3A)
    %scan3A = arith.constant 0 : i32
    %scan3A_1 = arith.constant 40 : i32
    %scan3A_2 = arith.addi %scan3A, %scan3A_1 : i32
    %scan3A_3 = arith.constant 1 : i32
    scf.for %scan3A_10 = %scan3A to %scan3A_2 step %scan3A_3  : i32 {
      %mul3A_11 = arith.constant 1 : i32
      %mul3A_12 = arith.muli %scan3A_10, %mul3A_11 : i32
      %add3A = arith.constant 0 : i32
      %add3A_13 = arith.addi %add3A, %mul3A_12 : i32
      "tpu.region"() ({
        %run_scoped3A_14 = tpu.sem_alloc : memref<!tpu.dma_semaphore, #tpu.memory_space<semaphore_mem>>
        %dma_start3A = arith.constant 0 : i32
        %dma_start3A_15 = tpu.memref_slice %arg6[%add3A_13, %dma_start3A] : memref<40x128xi32, #tpu.memory_space<vmem>> -> memref<1x128xi32, #tpu.memory_space<vmem>>
        %dma_start3A_16 = tpu.memref_squeeze %dma_start3A_15 : memref<1x128xi32, #tpu.memory_space<vmem>> -> memref<128xi32, #tpu.memory_space<vmem>>
        %dma_start3A_17 = arith.constant 0 : i32
        %dma_start3A_18 = tpu.memref_slice %arg9[%dma_start3A_17] : memref<10240xf32, #tpu.memory_space<vmem_shared>> -> memref<10240xf32, #tpu.memory_space<vmem_shared>>
        tpu.enqueue_indirect_dma source(%arg7 : memref<128xf32, #tpu.memory_space<vmem>>) target(%dma_start3A_18 : memref<10240xf32, #tpu.memory_space<vmem_shared>>) offsets(%dma_start3A_16 : memref<128xi32, #tpu.memory_space<vmem>>) semaphore(%run_scoped3A_14 : memref<!tpu.dma_semaphore, #tpu.memory_space<semaphore_mem>>) {add = true}
        %dma_wait3A = arith.constant 0 : i32
        %dma_wait3A_19 = tpu.memref_slice %arg6[%add3A_13, %dma_wait3A] : memref<40x128xi32, #tpu.memory_space<vmem>> -> memref<1x128xi32, #tpu.memory_space<vmem>>
        %dma_wait3A_20 = tpu.memref_squeeze %dma_wait3A_19 : memref<1x128xi32, #tpu.memory_space<vmem>> -> memref<128xi32, #tpu.memory_space<vmem>>
        %dma_wait3A_21 = arith.constant 0 : i32
        %dma_wait3A_22 = tpu.memref_slice %arg9[%dma_wait3A_21] : memref<10240xf32, #tpu.memory_space<vmem_shared>> -> memref<10240xf32, #tpu.memory_space<vmem_shared>>
        tpu.wait_indirect_dma semaphore(%run_scoped3A_14 : memref<!tpu.dma_semaphore, #tpu.memory_space<semaphore_mem>>) src(%arg7 : memref<128xf32, #tpu.memory_space<vmem>>) dst(%dma_wait3A_22 : memref<10240xf32, #tpu.memory_space<vmem_shared>>)
        tpu.yield
      }) : () -> ()
    }
    %scan3A_4 = arith.constant 40 : i32
    %barrier3A_5 = arith.constant 0 : index
    tpu.barrier barrier_id(%barrier3A_5)
    %mul3A_6 = arith.constant 640 : i32
    %mul3A_7 = arith.muli %arg1, %mul3A_6 : i32
    %mul3A_8 = arith.constant 640 : i32
    %mul3A_9 = arith.muli %arg1, %mul3A_8 : i32
    %run_scoped3A = arith.constant 0 : i32
    "tpu.region"() ({
      %run_scoped3A_10 = tpu.sem_alloc : memref<!tpu.dma_semaphore, #tpu.memory_space<semaphore_mem>>
      %dma_start3A = tpu.memref_slice %arg5[%arg0, %run_scoped3A, %mul3A_9] : memref<2x1x10240xf32, #tpu.memory_space<hbm>> -> memref<1x1x640xf32, #tpu.memory_space<hbm>>
      %dma_start3A_11 = tpu.memref_squeeze %dma_start3A : memref<1x1x640xf32, #tpu.memory_space<hbm>> -> memref<640xf32, #tpu.memory_space<hbm>>
      %dma_start3A_12 = tpu.memref_slice %arg9[%mul3A_7] : memref<10240xf32, #tpu.memory_space<vmem_shared>> -> memref<640xf32, #tpu.memory_space<vmem_shared>>
      tpu.enqueue_dma source(%dma_start3A_12 : memref<640xf32, #tpu.memory_space<vmem_shared>>) target(%dma_start3A_11 : memref<640xf32, #tpu.memory_space<hbm>>) target_semaphore(%run_scoped3A_10 : memref<!tpu.dma_semaphore, #tpu.memory_space<semaphore_mem>>)
      %dma_wait3A = tpu.memref_slice %arg5[%arg0, %run_scoped3A, %mul3A_9] : memref<2x1x10240xf32, #tpu.memory_space<hbm>> -> memref<1x1x640xf32, #tpu.memory_space<hbm>>
      %dma_wait3A_13 = tpu.memref_squeeze %dma_wait3A : memref<1x1x640xf32, #tpu.memory_space<hbm>> -> memref<640xf32, #tpu.memory_space<hbm>>
      %dma_wait3A_14 = tpu.memref_slice %arg9[%mul3A_7] : memref<10240xf32, #tpu.memory_space<vmem_shared>> -> memref<640xf32, #tpu.memory_space<vmem_shared>>
      tpu.wait_dma2 semaphore(%run_scoped3A_10 : memref<!tpu.dma_semaphore, #tpu.memory_space<semaphore_mem>>) src(%dma_wait3A_14 : memref<640xf32, #tpu.memory_space<vmem_shared>>) dst(%dma_wait3A_13 : memref<640xf32, #tpu.memory_space<hbm>>)
      tpu.yield
    }) : () -> ()
    return
  }
}

#map = affine_map<(d0, d1) -> (0, 0)>
#map1 = affine_map<(d0, d1) -> (0, 0, 0, 0, 0)>
#map2 = affine_map<(d0, d1) -> (0, 0, 0, 0)>
#map3 = affine_map<(d0, d1) -> (0, 0, 0)>
module attributes {stable_mosaic.version = 14 : i64} {
  func.func @_agg(%arg0: i32, %arg1: i32, %arg2: memref<20000x128xf32, #tpu.memory_space<hbm>>, %arg3: memref<2x16x158x1x64xi32, #tpu.memory_space<hbm>>, %arg4: memref<16x158x1x64xi32, #tpu.memory_space<hbm>>, %arg5: memref<632x128xf32, #tpu.memory_space<hbm>>, %arg6: memref<2x10000x128xf32, #tpu.memory_space<hbm>>, %arg7: memref<64xi32, #tpu.memory_space<vmem>>, %arg8: memref<64xi32, #tpu.memory_space<vmem>>, %arg9: memref<64xi32, #tpu.memory_space<vmem>>, %arg10: memref<64xi32, #tpu.memory_space<vmem>>, %arg11: memref<64x128xf32, #tpu.memory_space<vmem>>, %arg12: memref<64x128xf32, #tpu.memory_space<vmem>>, %arg13: memref<10008x128xf32, #tpu.memory_space<vmem_shared>>, %arg14: memref<!tpu.dma_semaphore, #tpu.memory_space<semaphore_mem>>, %arg15: memref<!tpu.dma_semaphore, #tpu.memory_space<semaphore_mem>>, %arg16: memref<!tpu.dma_semaphore, #tpu.memory_space<semaphore_mem>>, %arg17: memref<!tpu.dma_semaphore, #tpu.memory_space<semaphore_mem>>) attributes {dimension_semantics = [#tpu.dimension_semantics<core_parallel>, #tpu.dimension_semantics<subcore_parallel>], iteration_bounds = array<i64: 2, 16>, scalar_prefetch = 0 : i64, scratch_operands = 11 : i64, tpu.core_type = #tpu.core_type<sc_vector_subcore>, window_params = [{transform_indices = #map}, {transform_indices = #map1}, {transform_indices = #map2}, {transform_indices = #map}, {transform_indices = #map3}]} {
    %lt3A = arith.constant 15 : i32
    %lt3A_0 = arith.cmpi slt, %arg1, %lt3A : i32
    %convert_element_type3A = arith.extui %lt3A_0 : i1 to i32
    %cond3A = arith.constant 0 : i32
    %cond3A_1 = arith.cmpi ne, %convert_element_type3A, %cond3A : i32
    scf.if %cond3A_1 {
      %mul3A = arith.constant 632 : i32
      %mul3A_33 = arith.muli %arg1, %mul3A : i32
      "tpu.region"() ({
        %run_scoped3A_34 = tpu.sem_alloc : memref<!tpu.dma_semaphore, #tpu.memory_space<semaphore_mem>>
        %dma_start3A_35 = arith.constant 0 : i32
        %dma_start3A_36 = tpu.memref_slice %arg13[%mul3A_33, %dma_start3A_35] : memref<10008x128xf32, #tpu.memory_space<vmem_shared>> -> memref<632x128xf32, #tpu.memory_space<vmem_shared>>
        tpu.enqueue_dma source(%arg5 : memref<632x128xf32, #tpu.memory_space<hbm>>) target(%dma_start3A_36 : memref<632x128xf32, #tpu.memory_space<vmem_shared>>) target_semaphore(%run_scoped3A_34 : memref<!tpu.dma_semaphore, #tpu.memory_space<semaphore_mem>>)
        %dma_wait3A = arith.constant 0 : i32
        %dma_wait3A_37 = tpu.memref_slice %arg13[%mul3A_33, %dma_wait3A] : memref<10008x128xf32, #tpu.memory_space<vmem_shared>> -> memref<632x128xf32, #tpu.memory_space<vmem_shared>>
        tpu.wait_dma2 semaphore(%run_scoped3A_34 : memref<!tpu.dma_semaphore, #tpu.memory_space<semaphore_mem>>) src(%arg5 : memref<632x128xf32, #tpu.memory_space<hbm>>) dst(%dma_wait3A_37 : memref<632x128xf32, #tpu.memory_space<vmem_shared>>)
        tpu.yield
      }) : () -> ()
    } else {
    }
    %eq3A = arith.constant 15 : i32
    %eq3A_2 = arith.cmpi eq, %arg1, %eq3A : i32
    %convert_element_type3A_3 = arith.extui %eq3A_2 : i1 to i32
    %cond3A_4 = arith.constant 0 : i32
    %cond3A_5 = arith.cmpi ne, %convert_element_type3A_3, %cond3A_4 : i32
    scf.if %cond3A_5 {
      "tpu.region"() ({
        %run_scoped3A_33 = tpu.sem_alloc : memref<!tpu.dma_semaphore, #tpu.memory_space<semaphore_mem>>
        %dma_start3A_34 = arith.constant 9480 : i32
        %dma_start3A_35 = arith.constant 0 : i32
        %dma_start3A_36 = tpu.memref_slice %arg13[%dma_start3A_34, %dma_start3A_35] : memref<10008x128xf32, #tpu.memory_space<vmem_shared>> -> memref<528x128xf32, #tpu.memory_space<vmem_shared>>
        %dma_start3A_37 = arith.constant 0 : i32
        %dma_start3A_38 = arith.constant 0 : i32
        %dma_start3A_39 = tpu.memref_slice %arg5[%dma_start3A_37, %dma_start3A_38] : memref<632x128xf32, #tpu.memory_space<hbm>> -> memref<528x128xf32, #tpu.memory_space<hbm>>
        tpu.enqueue_dma source(%dma_start3A_39 : memref<528x128xf32, #tpu.memory_space<hbm>>) target(%dma_start3A_36 : memref<528x128xf32, #tpu.memory_space<vmem_shared>>) target_semaphore(%run_scoped3A_33 : memref<!tpu.dma_semaphore, #tpu.memory_space<semaphore_mem>>)
        %dma_wait3A = arith.constant 9480 : i32
        %dma_wait3A_40 = arith.constant 0 : i32
        %dma_wait3A_41 = tpu.memref_slice %arg13[%dma_wait3A, %dma_wait3A_40] : memref<10008x128xf32, #tpu.memory_space<vmem_shared>> -> memref<528x128xf32, #tpu.memory_space<vmem_shared>>
        %dma_wait3A_42 = arith.constant 0 : i32
        %dma_wait3A_43 = arith.constant 0 : i32
        %dma_wait3A_44 = tpu.memref_slice %arg5[%dma_wait3A_42, %dma_wait3A_43] : memref<632x128xf32, #tpu.memory_space<hbm>> -> memref<528x128xf32, #tpu.memory_space<hbm>>
        tpu.wait_dma2 semaphore(%run_scoped3A_33 : memref<!tpu.dma_semaphore, #tpu.memory_space<semaphore_mem>>) src(%dma_wait3A_44 : memref<528x128xf32, #tpu.memory_space<hbm>>) dst(%dma_wait3A_41 : memref<528x128xf32, #tpu.memory_space<vmem_shared>>)
        tpu.yield
      }) : () -> ()
    } else {
    }
    %barrier3A = arith.constant 0 : index
    tpu.barrier barrier_id(%barrier3A)
    %run_scoped3A = arith.constant 0 : i32
    %run_scoped3A_6 = arith.constant 0 : i32
    "tpu.region"() ({
      %run_scoped3A_33 = tpu.sem_alloc : memref<!tpu.dma_semaphore, #tpu.memory_space<semaphore_mem>>
      %dma_start3A_34 = arith.constant 0 : i32
      %dma_start3A_35 = tpu.memref_slice %arg3[%arg0, %arg1, %run_scoped3A, %run_scoped3A_6, %dma_start3A_34] : memref<2x16x158x1x64xi32, #tpu.memory_space<hbm>> -> memref<1x1x1x1x64xi32, #tpu.memory_space<hbm>>
      %dma_start3A_36 = tpu.memref_squeeze %dma_start3A_35 : memref<1x1x1x1x64xi32, #tpu.memory_space<hbm>> -> memref<64xi32, #tpu.memory_space<hbm>>
      %dma_start3A_37 = arith.constant 0 : i32
      %dma_start3A_38 = tpu.memref_slice %arg3[%arg0, %arg1, %run_scoped3A, %run_scoped3A_6, %dma_start3A_37] : memref<2x16x158x1x64xi32, #tpu.memory_space<hbm>> -> memref<1x1x1x1x64xi32, #tpu.memory_space<hbm>>
      %dma_start3A_39 = tpu.memref_squeeze %dma_start3A_38 : memref<1x1x1x1x64xi32, #tpu.memory_space<hbm>> -> memref<64xi32, #tpu.memory_space<hbm>>
      tpu.enqueue_dma source(%dma_start3A_39 : memref<64xi32, #tpu.memory_space<hbm>>) target(%arg7 : memref<64xi32, #tpu.memory_space<vmem>>) target_semaphore(%run_scoped3A_33 : memref<!tpu.dma_semaphore, #tpu.memory_space<semaphore_mem>>)
      %dma_wait3A = arith.constant 0 : i32
      %dma_wait3A_40 = tpu.memref_slice %arg3[%arg0, %arg1, %run_scoped3A, %run_scoped3A_6, %dma_wait3A] : memref<2x16x158x1x64xi32, #tpu.memory_space<hbm>> -> memref<1x1x1x1x64xi32, #tpu.memory_space<hbm>>
      %dma_wait3A_41 = tpu.memref_squeeze %dma_wait3A_40 : memref<1x1x1x1x64xi32, #tpu.memory_space<hbm>> -> memref<64xi32, #tpu.memory_space<hbm>>
      %dma_wait3A_42 = arith.constant 0 : i32
      %dma_wait3A_43 = tpu.memref_slice %arg3[%arg0, %arg1, %run_scoped3A, %run_scoped3A_6, %dma_wait3A_42] : memref<2x16x158x1x64xi32, #tpu.memory_space<hbm>> -> memref<1x1x1x1x64xi32, #tpu.memory_space<hbm>>
      %dma_wait3A_44 = tpu.memref_squeeze %dma_wait3A_43 : memref<1x1x1x1x64xi32, #tpu.memory_space<hbm>> -> memref<64xi32, #tpu.memory_space<hbm>>
      tpu.wait_dma2 semaphore(%run_scoped3A_33 : memref<!tpu.dma_semaphore, #tpu.memory_space<semaphore_mem>>) src(%dma_wait3A_44 : memref<64xi32, #tpu.memory_space<hbm>>) dst(%arg7 : memref<64xi32, #tpu.memory_space<vmem>>)
      tpu.yield
    }) : () -> ()
    %run_scoped3A_7 = arith.constant 0 : i32
    %run_scoped3A_8 = arith.constant 0 : i32
    "tpu.region"() ({
      %run_scoped3A_33 = tpu.sem_alloc : memref<!tpu.dma_semaphore, #tpu.memory_space<semaphore_mem>>
      %dma_start3A_34 = arith.constant 0 : i32
      %dma_start3A_35 = tpu.memref_slice %arg4[%arg1, %run_scoped3A_7, %run_scoped3A_8, %dma_start3A_34] : memref<16x158x1x64xi32, #tpu.memory_space<hbm>> -> memref<1x1x1x64xi32, #tpu.memory_space<hbm>>
      %dma_start3A_36 = tpu.memref_squeeze %dma_start3A_35 : memref<1x1x1x64xi32, #tpu.memory_space<hbm>> -> memref<64xi32, #tpu.memory_space<hbm>>
      %dma_start3A_37 = arith.constant 0 : i32
      %dma_start3A_38 = tpu.memref_slice %arg4[%arg1, %run_scoped3A_7, %run_scoped3A_8, %dma_start3A_37] : memref<16x158x1x64xi32, #tpu.memory_space<hbm>> -> memref<1x1x1x64xi32, #tpu.memory_space<hbm>>
      %dma_start3A_39 = tpu.memref_squeeze %dma_start3A_38 : memref<1x1x1x64xi32, #tpu.memory_space<hbm>> -> memref<64xi32, #tpu.memory_space<hbm>>
      tpu.enqueue_dma source(%dma_start3A_39 : memref<64xi32, #tpu.memory_space<hbm>>) target(%arg9 : memref<64xi32, #tpu.memory_space<vmem>>) target_semaphore(%run_scoped3A_33 : memref<!tpu.dma_semaphore, #tpu.memory_space<semaphore_mem>>)
      %dma_wait3A = arith.constant 0 : i32
      %dma_wait3A_40 = tpu.memref_slice %arg4[%arg1, %run_scoped3A_7, %run_scoped3A_8, %dma_wait3A] : memref<16x158x1x64xi32, #tpu.memory_space<hbm>> -> memref<1x1x1x64xi32, #tpu.memory_space<hbm>>
      %dma_wait3A_41 = tpu.memref_squeeze %dma_wait3A_40 : memref<1x1x1x64xi32, #tpu.memory_space<hbm>> -> memref<64xi32, #tpu.memory_space<hbm>>
      %dma_wait3A_42 = arith.constant 0 : i32
      %dma_wait3A_43 = tpu.memref_slice %arg4[%arg1, %run_scoped3A_7, %run_scoped3A_8, %dma_wait3A_42] : memref<16x158x1x64xi32, #tpu.memory_space<hbm>> -> memref<1x1x1x64xi32, #tpu.memory_space<hbm>>
      %dma_wait3A_44 = tpu.memref_squeeze %dma_wait3A_43 : memref<1x1x1x64xi32, #tpu.memory_space<hbm>> -> memref<64xi32, #tpu.memory_space<hbm>>
      tpu.wait_dma2 semaphore(%run_scoped3A_33 : memref<!tpu.dma_semaphore, #tpu.memory_space<semaphore_mem>>) src(%dma_wait3A_44 : memref<64xi32, #tpu.memory_space<hbm>>) dst(%arg9 : memref<64xi32, #tpu.memory_space<vmem>>)
      tpu.yield
    }) : () -> ()
    %dma_start3A = arith.constant 0 : i32
    %dma_start3A_9 = arith.constant 0 : i32
    %dma_start3A_10 = tpu.memref_slice %arg2[%dma_start3A, %dma_start3A_9] : memref<20000x128xf32, #tpu.memory_space<hbm>> -> memref<20000x128xf32, #tpu.memory_space<hbm>>
    tpu.enqueue_indirect_dma source(%dma_start3A_10 : memref<20000x128xf32, #tpu.memory_space<hbm>>) target(%arg11 : memref<64x128xf32, #tpu.memory_space<vmem>>) offsets(%arg7 : memref<64xi32, #tpu.memory_space<vmem>>) semaphore(%arg14 : memref<!tpu.dma_semaphore, #tpu.memory_space<semaphore_mem>>)
    %run_scoped3A_11 = arith.constant 1 : i32
    %run_scoped3A_12 = arith.constant 0 : i32
    "tpu.region"() ({
      %run_scoped3A_33 = tpu.sem_alloc : memref<!tpu.dma_semaphore, #tpu.memory_space<semaphore_mem>>
      %dma_start3A_34 = arith.constant 0 : i32
      %dma_start3A_35 = tpu.memref_slice %arg3[%arg0, %arg1, %run_scoped3A_11, %run_scoped3A_12, %dma_start3A_34] : memref<2x16x158x1x64xi32, #tpu.memory_space<hbm>> -> memref<1x1x1x1x64xi32, #tpu.memory_space<hbm>>
      %dma_start3A_36 = tpu.memref_squeeze %dma_start3A_35 : memref<1x1x1x1x64xi32, #tpu.memory_space<hbm>> -> memref<64xi32, #tpu.memory_space<hbm>>
      %dma_start3A_37 = arith.constant 0 : i32
      %dma_start3A_38 = tpu.memref_slice %arg3[%arg0, %arg1, %run_scoped3A_11, %run_scoped3A_12, %dma_start3A_37] : memref<2x16x158x1x64xi32, #tpu.memory_space<hbm>> -> memref<1x1x1x1x64xi32, #tpu.memory_space<hbm>>
      %dma_start3A_39 = tpu.memref_squeeze %dma_start3A_38 : memref<1x1x1x1x64xi32, #tpu.memory_space<hbm>> -> memref<64xi32, #tpu.memory_space<hbm>>
      tpu.enqueue_dma source(%dma_start3A_39 : memref<64xi32, #tpu.memory_space<hbm>>) target(%arg8 : memref<64xi32, #tpu.memory_space<vmem>>) target_semaphore(%run_scoped3A_33 : memref<!tpu.dma_semaphore, #tpu.memory_space<semaphore_mem>>)
      %dma_wait3A = arith.constant 0 : i32
      %dma_wait3A_40 = tpu.memref_slice %arg3[%arg0, %arg1, %run_scoped3A_11, %run_scoped3A_12, %dma_wait3A] : memref<2x16x158x1x64xi32, #tpu.memory_space<hbm>> -> memref<1x1x1x1x64xi32, #tpu.memory_space<hbm>>
      %dma_wait3A_41 = tpu.memref_squeeze %dma_wait3A_40 : memref<1x1x1x1x64xi32, #tpu.memory_space<hbm>> -> memref<64xi32, #tpu.memory_space<hbm>>
      %dma_wait3A_42 = arith.constant 0 : i32
      %dma_wait3A_43 = tpu.memref_slice %arg3[%arg0, %arg1, %run_scoped3A_11, %run_scoped3A_12, %dma_wait3A_42] : memref<2x16x158x1x64xi32, #tpu.memory_space<hbm>> -> memref<1x1x1x1x64xi32, #tpu.memory_space<hbm>>
      %dma_wait3A_44 = tpu.memref_squeeze %dma_wait3A_43 : memref<1x1x1x1x64xi32, #tpu.memory_space<hbm>> -> memref<64xi32, #tpu.memory_space<hbm>>
      tpu.wait_dma2 semaphore(%run_scoped3A_33 : memref<!tpu.dma_semaphore, #tpu.memory_space<semaphore_mem>>) src(%dma_wait3A_44 : memref<64xi32, #tpu.memory_space<hbm>>) dst(%arg8 : memref<64xi32, #tpu.memory_space<vmem>>)
      tpu.yield
    }) : () -> ()
    %run_scoped3A_13 = arith.constant 1 : i32
    %run_scoped3A_14 = arith.constant 0 : i32
    "tpu.region"() ({
      %run_scoped3A_33 = tpu.sem_alloc : memref<!tpu.dma_semaphore, #tpu.memory_space<semaphore_mem>>
      %dma_start3A_34 = arith.constant 0 : i32
      %dma_start3A_35 = tpu.memref_slice %arg4[%arg1, %run_scoped3A_13, %run_scoped3A_14, %dma_start3A_34] : memref<16x158x1x64xi32, #tpu.memory_space<hbm>> -> memref<1x1x1x64xi32, #tpu.memory_space<hbm>>
      %dma_start3A_36 = tpu.memref_squeeze %dma_start3A_35 : memref<1x1x1x64xi32, #tpu.memory_space<hbm>> -> memref<64xi32, #tpu.memory_space<hbm>>
      %dma_start3A_37 = arith.constant 0 : i32
      %dma_start3A_38 = tpu.memref_slice %arg4[%arg1, %run_scoped3A_13, %run_scoped3A_14, %dma_start3A_37] : memref<16x158x1x64xi32, #tpu.memory_space<hbm>> -> memref<1x1x1x64xi32, #tpu.memory_space<hbm>>
      %dma_start3A_39 = tpu.memref_squeeze %dma_start3A_38 : memref<1x1x1x64xi32, #tpu.memory_space<hbm>> -> memref<64xi32, #tpu.memory_space<hbm>>
      tpu.enqueue_dma source(%dma_start3A_39 : memref<64xi32, #tpu.memory_space<hbm>>) target(%arg10 : memref<64xi32, #tpu.memory_space<vmem>>) target_semaphore(%run_scoped3A_33 : memref<!tpu.dma_semaphore, #tpu.memory_space<semaphore_mem>>)
      %dma_wait3A = arith.constant 0 : i32
      %dma_wait3A_40 = tpu.memref_slice %arg4[%arg1, %run_scoped3A_13, %run_scoped3A_14, %dma_wait3A] : memref<16x158x1x64xi32, #tpu.memory_space<hbm>> -> memref<1x1x1x64xi32, #tpu.memory_space<hbm>>
      %dma_wait3A_41 = tpu.memref_squeeze %dma_wait3A_40 : memref<1x1x1x64xi32, #tpu.memory_space<hbm>> -> memref<64xi32, #tpu.memory_space<hbm>>
      %dma_wait3A_42 = arith.constant 0 : i32
      %dma_wait3A_43 = tpu.memref_slice %arg4[%arg1, %run_scoped3A_13, %run_scoped3A_14, %dma_wait3A_42] : memref<16x158x1x64xi32, #tpu.memory_space<hbm>> -> memref<1x1x1x64xi32, #tpu.memory_space<hbm>>
      %dma_wait3A_44 = tpu.memref_squeeze %dma_wait3A_43 : memref<1x1x1x64xi32, #tpu.memory_space<hbm>> -> memref<64xi32, #tpu.memory_space<hbm>>
      tpu.wait_dma2 semaphore(%run_scoped3A_33 : memref<!tpu.dma_semaphore, #tpu.memory_space<semaphore_mem>>) src(%dma_wait3A_44 : memref<64xi32, #tpu.memory_space<hbm>>) dst(%arg10 : memref<64xi32, #tpu.memory_space<vmem>>)
      tpu.yield
    }) : () -> ()
    %dma_start3A_15 = arith.constant 0 : i32
    %dma_start3A_16 = arith.constant 0 : i32
    %dma_start3A_17 = tpu.memref_slice %arg2[%dma_start3A_15, %dma_start3A_16] : memref<20000x128xf32, #tpu.memory_space<hbm>> -> memref<20000x128xf32, #tpu.memory_space<hbm>>
    tpu.enqueue_indirect_dma source(%dma_start3A_17 : memref<20000x128xf32, #tpu.memory_space<hbm>>) target(%arg12 : memref<64x128xf32, #tpu.memory_space<vmem>>) offsets(%arg8 : memref<64xi32, #tpu.memory_space<vmem>>) semaphore(%arg15 : memref<!tpu.dma_semaphore, #tpu.memory_space<semaphore_mem>>)
    %scan3A = arith.constant 0 : i32
    %scan3A_18 = arith.constant 79 : i32
    %scan3A_19 = arith.addi %scan3A, %scan3A_18 : i32
    %scan3A_20 = arith.constant 1 : i32
    scf.for %scan3A_33 = %scan3A to %scan3A_19 step %scan3A_20  : i32 {
      %mul3A = arith.constant 1 : i32
      %mul3A_34 = arith.muli %scan3A_33, %mul3A : i32
      %add3A = arith.constant 0 : i32
      %add3A_35 = arith.addi %add3A, %mul3A_34 : i32
      %mul3A_36 = arith.constant 2 : i32
      %mul3A_37 = arith.muli %mul3A_36, %add3A_35 : i32
      %add3A_38 = arith.constant 0 : i32
      %add3A_39 = arith.addi %mul3A_37, %add3A_38 : i32
      %dma_wait3A = arith.constant 0 : i32
      %dma_wait3A_40 = arith.constant 0 : i32
      %dma_wait3A_41 = tpu.memref_slice %arg2[%dma_wait3A, %dma_wait3A_40] : memref<20000x128xf32, #tpu.memory_space<hbm>> -> memref<20000x128xf32, #tpu.memory_space<hbm>>
      tpu.wait_indirect_dma semaphore(%arg14 : memref<!tpu.dma_semaphore, #tpu.memory_space<semaphore_mem>>) src(%dma_wait3A_41 : memref<20000x128xf32, #tpu.memory_space<hbm>>) dst(%arg11 : memref<64x128xf32, #tpu.memory_space<vmem>>)
      %add3A_42 = arith.constant 2 : i32
      %add3A_43 = arith.addi %add3A_39, %add3A_42 : i32
      %lt3A_44 = arith.constant 158 : i32
      %lt3A_45 = arith.cmpi slt, %add3A_43, %lt3A_44 : i32
      %convert_element_type3A_46 = arith.extui %lt3A_45 : i1 to i32
      %cond3A_47 = arith.constant 0 : i32
      %cond3A_48 = arith.cmpi ne, %convert_element_type3A_46, %cond3A_47 : i32
      scf.if %cond3A_48 {
        %add3A_77 = arith.constant 2 : i32
        %add3A_78 = arith.addi %add3A_39, %add3A_77 : i32
        %dma_start3A_79 = arith.constant 0 : i32
        %dma_start3A_80 = arith.constant 0 : i32
        %dma_start3A_81 = tpu.memref_slice %arg3[%arg0, %arg1, %add3A_78, %dma_start3A_79, %dma_start3A_80] : memref<2x16x158x1x64xi32, #tpu.memory_space<hbm>> -> memref<1x1x1x1x64xi32, #tpu.memory_space<hbm>>
        %dma_start3A_82 = tpu.memref_squeeze %dma_start3A_81 : memref<1x1x1x1x64xi32, #tpu.memory_space<hbm>> -> memref<64xi32, #tpu.memory_space<hbm>>
        %dma_start3A_83 = arith.constant 0 : i32
        %dma_start3A_84 = tpu.memref_slice %arg3[%arg0, %arg1, %add3A_78, %dma_start3A_79, %dma_start3A_83] : memref<2x16x158x1x64xi32, #tpu.memory_space<hbm>> -> memref<1x1x1x1x64xi32, #tpu.memory_space<hbm>>
        %dma_start3A_85 = tpu.memref_squeeze %dma_start3A_84 : memref<1x1x1x1x64xi32, #tpu.memory_space<hbm>> -> memref<64xi32, #tpu.memory_space<hbm>>
        tpu.enqueue_dma source(%dma_start3A_85 : memref<64xi32, #tpu.memory_space<hbm>>) target(%arg7 : memref<64xi32, #tpu.memory_space<vmem>>) target_semaphore(%arg16 : memref<!tpu.dma_semaphore, #tpu.memory_space<semaphore_mem>>)
      } else {
      }
      "tpu.region"() ({
        %run_scoped3A_77 = tpu.sem_alloc : memref<!tpu.dma_semaphore, #tpu.memory_space<semaphore_mem>>
        %dma_start3A_78 = arith.constant 0 : i32
        %dma_start3A_79 = arith.constant 0 : i32
        %dma_start3A_80 = tpu.memref_slice %arg13[%dma_start3A_78, %dma_start3A_79] : memref<10008x128xf32, #tpu.memory_space<vmem_shared>> -> memref<10008x128xf32, #tpu.memory_space<vmem_shared>>
        tpu.enqueue_indirect_dma source(%arg11 : memref<64x128xf32, #tpu.memory_space<vmem>>) target(%dma_start3A_80 : memref<10008x128xf32, #tpu.memory_space<vmem_shared>>) offsets(%arg9 : memref<64xi32, #tpu.memory_space<vmem>>) semaphore(%run_scoped3A_77 : memref<!tpu.dma_semaphore, #tpu.memory_space<semaphore_mem>>) {add = true}
        %dma_wait3A_81 = arith.constant 0 : i32
        %dma_wait3A_82 = arith.constant 0 : i32
        %dma_wait3A_83 = tpu.memref_slice %arg13[%dma_wait3A_81, %dma_wait3A_82] : memref<10008x128xf32, #tpu.memory_space<vmem_shared>> -> memref<10008x128xf32, #tpu.memory_space<vmem_shared>>
        tpu.wait_indirect_dma semaphore(%run_scoped3A_77 : memref<!tpu.dma_semaphore, #tpu.memory_space<semaphore_mem>>) src(%arg11 : memref<64x128xf32, #tpu.memory_space<vmem>>) dst(%dma_wait3A_83 : memref<10008x128xf32, #tpu.memory_space<vmem_shared>>)
        tpu.yield
      }) : () -> ()
      %add3A_49 = arith.constant 2 : i32
      %add3A_50 = arith.addi %add3A_39, %add3A_49 : i32
      %lt3A_51 = arith.constant 158 : i32
      %lt3A_52 = arith.cmpi slt, %add3A_50, %lt3A_51 : i32
      %convert_element_type3A_53 = arith.extui %lt3A_52 : i1 to i32
      %cond3A_54 = arith.constant 0 : i32
      %cond3A_55 = arith.cmpi ne, %convert_element_type3A_53, %cond3A_54 : i32
      scf.if %cond3A_55 {
        %add3A_77 = arith.constant 2 : i32
        %add3A_78 = arith.addi %add3A_39, %add3A_77 : i32
        %run_scoped3A_79 = arith.constant 0 : i32
        "tpu.region"() ({
          %run_scoped3A_92 = tpu.sem_alloc : memref<!tpu.dma_semaphore, #tpu.memory_space<semaphore_mem>>
          %dma_start3A_93 = arith.constant 0 : i32
          %dma_start3A_94 = tpu.memref_slice %arg4[%arg1, %add3A_78, %run_scoped3A_79, %dma_start3A_93] : memref<16x158x1x64xi32, #tpu.memory_space<hbm>> -> memref<1x1x1x64xi32, #tpu.memory_space<hbm>>
          %dma_start3A_95 = tpu.memref_squeeze %dma_start3A_94 : memref<1x1x1x64xi32, #tpu.memory_space<hbm>> -> memref<64xi32, #tpu.memory_space<hbm>>
          %dma_start3A_96 = arith.constant 0 : i32
          %dma_start3A_97 = tpu.memref_slice %arg4[%arg1, %add3A_78, %run_scoped3A_79, %dma_start3A_96] : memref<16x158x1x64xi32, #tpu.memory_space<hbm>> -> memref<1x1x1x64xi32, #tpu.memory_space<hbm>>
          %dma_start3A_98 = tpu.memref_squeeze %dma_start3A_97 : memref<1x1x1x64xi32, #tpu.memory_space<hbm>> -> memref<64xi32, #tpu.memory_space<hbm>>
          tpu.enqueue_dma source(%dma_start3A_98 : memref<64xi32, #tpu.memory_space<hbm>>) target(%arg9 : memref<64xi32, #tpu.memory_space<vmem>>) target_semaphore(%run_scoped3A_92 : memref<!tpu.dma_semaphore, #tpu.memory_space<semaphore_mem>>)
          %dma_wait3A_99 = arith.constant 0 : i32
          %dma_wait3A_100 = tpu.memref_slice %arg4[%arg1, %add3A_78, %run_scoped3A_79, %dma_wait3A_99] : memref<16x158x1x64xi32, #tpu.memory_space<hbm>> -> memref<1x1x1x64xi32, #tpu.memory_space<hbm>>
          %dma_wait3A_101 = tpu.memref_squeeze %dma_wait3A_100 : memref<1x1x1x64xi32, #tpu.memory_space<hbm>> -> memref<64xi32, #tpu.memory_space<hbm>>
          %dma_wait3A_102 = arith.constant 0 : i32
          %dma_wait3A_103 = tpu.memref_slice %arg4[%arg1, %add3A_78, %run_scoped3A_79, %dma_wait3A_102] : memref<16x158x1x64xi32, #tpu.memory_space<hbm>> -> memref<1x1x1x64xi32, #tpu.memory_space<hbm>>
          %dma_wait3A_104 = tpu.memref_squeeze %dma_wait3A_103 : memref<1x1x1x64xi32, #tpu.memory_space<hbm>> -> memref<64xi32, #tpu.memory_space<hbm>>
          tpu.wait_dma2 semaphore(%run_scoped3A_92 : memref<!tpu.dma_semaphore, #tpu.memory_space<semaphore_mem>>) src(%dma_wait3A_104 : memref<64xi32, #tpu.memory_space<hbm>>) dst(%arg9 : memref<64xi32, #tpu.memory_space<vmem>>)
          tpu.yield
        }) : () -> ()
        %add3A_80 = arith.constant 2 : i32
        %add3A_81 = arith.addi %add3A_39, %add3A_80 : i32
        %dma_wait3A_82 = arith.constant 0 : i32
        %dma_wait3A_83 = arith.constant 0 : i32
        %dma_wait3A_84 = tpu.memref_slice %arg3[%arg0, %arg1, %add3A_81, %dma_wait3A_82, %dma_wait3A_83] : memref<2x16x158x1x64xi32, #tpu.memory_space<hbm>> -> memref<1x1x1x1x64xi32, #tpu.memory_space<hbm>>
        %dma_wait3A_85 = tpu.memref_squeeze %dma_wait3A_84 : memref<1x1x1x1x64xi32, #tpu.memory_space<hbm>> -> memref<64xi32, #tpu.memory_space<hbm>>
        %dma_wait3A_86 = arith.constant 0 : i32
        %dma_wait3A_87 = tpu.memref_slice %arg3[%arg0, %arg1, %add3A_81, %dma_wait3A_82, %dma_wait3A_86] : memref<2x16x158x1x64xi32, #tpu.memory_space<hbm>> -> memref<1x1x1x1x64xi32, #tpu.memory_space<hbm>>
        %dma_wait3A_88 = tpu.memref_squeeze %dma_wait3A_87 : memref<1x1x1x1x64xi32, #tpu.memory_space<hbm>> -> memref<64xi32, #tpu.memory_space<hbm>>
        tpu.wait_dma2 semaphore(%arg16 : memref<!tpu.dma_semaphore, #tpu.memory_space<semaphore_mem>>) src(%dma_wait3A_88 : memref<64xi32, #tpu.memory_space<hbm>>) dst(%arg7 : memref<64xi32, #tpu.memory_space<vmem>>)
        %dma_start3A_89 = arith.constant 0 : i32
        %dma_start3A_90 = arith.constant 0 : i32
        %dma_start3A_91 = tpu.memref_slice %arg2[%dma_start3A_89, %dma_start3A_90] : memref<20000x128xf32, #tpu.memory_space<hbm>> -> memref<20000x128xf32, #tpu.memory_space<hbm>>
        tpu.enqueue_indirect_dma source(%dma_start3A_91 : memref<20000x128xf32, #tpu.memory_space<hbm>>) target(%arg11 : memref<64x128xf32, #tpu.memory_space<vmem>>) offsets(%arg7 : memref<64xi32, #tpu.memory_space<vmem>>) semaphore(%arg14 : memref<!tpu.dma_semaphore, #tpu.memory_space<semaphore_mem>>)
      } else {
      }
      %mul3A_56 = arith.constant 2 : i32
      %mul3A_57 = arith.muli %mul3A_56, %add3A_35 : i32
      %add3A_58 = arith.constant 1 : i32
      %add3A_59 = arith.addi %mul3A_57, %add3A_58 : i32
      %dma_wait3A_60 = arith.constant 0 : i32
      %dma_wait3A_61 = arith.constant 0 : i32
      %dma_wait3A_62 = tpu.memref_slice %arg2[%dma_wait3A_60, %dma_wait3A_61] : memref<20000x128xf32, #tpu.memory_space<hbm>> -> memref<20000x128xf32, #tpu.memory_space<hbm>>
      tpu.wait_indirect_dma semaphore(%arg15 : memref<!tpu.dma_semaphore, #tpu.memory_space<semaphore_mem>>) src(%dma_wait3A_62 : memref<20000x128xf32, #tpu.memory_space<hbm>>) dst(%arg12 : memref<64x128xf32, #tpu.memory_space<vmem>>)
      %add3A_63 = arith.constant 2 : i32
      %add3A_64 = arith.addi %add3A_59, %add3A_63 : i32
      %lt3A_65 = arith.constant 158 : i32
      %lt3A_66 = arith.cmpi slt, %add3A_64, %lt3A_65 : i32
      %convert_element_type3A_67 = arith.extui %lt3A_66 : i1 to i32
      %cond3A_68 = arith.constant 0 : i32
      %cond3A_69 = arith.cmpi ne, %convert_element_type3A_67, %cond3A_68 : i32
      scf.if %cond3A_69 {
        %add3A_77 = arith.constant 2 : i32
        %add3A_78 = arith.addi %add3A_59, %add3A_77 : i32
        %dma_start3A_79 = arith.constant 0 : i32
        %dma_start3A_80 = arith.constant 0 : i32
        %dma_start3A_81 = tpu.memref_slice %arg3[%arg0, %arg1, %add3A_78, %dma_start3A_79, %dma_start3A_80] : memref<2x16x158x1x64xi32, #tpu.memory_space<hbm>> -> memref<1x1x1x1x64xi32, #tpu.memory_space<hbm>>
        %dma_start3A_82 = tpu.memref_squeeze %dma_start3A_81 : memref<1x1x1x1x64xi32, #tpu.memory_space<hbm>> -> memref<64xi32, #tpu.memory_space<hbm>>
        %dma_start3A_83 = arith.constant 0 : i32
        %dma_start3A_84 = tpu.memref_slice %arg3[%arg0, %arg1, %add3A_78, %dma_start3A_79, %dma_start3A_83] : memref<2x16x158x1x64xi32, #tpu.memory_space<hbm>> -> memref<1x1x1x1x64xi32, #tpu.memory_space<hbm>>
        %dma_start3A_85 = tpu.memref_squeeze %dma_start3A_84 : memref<1x1x1x1x64xi32, #tpu.memory_space<hbm>> -> memref<64xi32, #tpu.memory_space<hbm>>
        tpu.enqueue_dma source(%dma_start3A_85 : memref<64xi32, #tpu.memory_space<hbm>>) target(%arg8 : memref<64xi32, #tpu.memory_space<vmem>>) target_semaphore(%arg17 : memref<!tpu.dma_semaphore, #tpu.memory_space<semaphore_mem>>)
      } else {
      }
      "tpu.region"() ({
        %run_scoped3A_77 = tpu.sem_alloc : memref<!tpu.dma_semaphore, #tpu.memory_space<semaphore_mem>>
        %dma_start3A_78 = arith.constant 0 : i32
        %dma_start3A_79 = arith.constant 0 : i32
        %dma_start3A_80 = tpu.memref_slice %arg13[%dma_start3A_78, %dma_start3A_79] : memref<10008x128xf32, #tpu.memory_space<vmem_shared>> -> memref<10008x128xf32, #tpu.memory_space<vmem_shared>>
        tpu.enqueue_indirect_dma source(%arg12 : memref<64x128xf32, #tpu.memory_space<vmem>>) target(%dma_start3A_80 : memref<10008x128xf32, #tpu.memory_space<vmem_shared>>) offsets(%arg10 : memref<64xi32, #tpu.memory_space<vmem>>) semaphore(%run_scoped3A_77 : memref<!tpu.dma_semaphore, #tpu.memory_space<semaphore_mem>>) {add = true}
        %dma_wait3A_81 = arith.constant 0 : i32
        %dma_wait3A_82 = arith.constant 0 : i32
        %dma_wait3A_83 = tpu.memref_slice %arg13[%dma_wait3A_81, %dma_wait3A_82] : memref<10008x128xf32, #tpu.memory_space<vmem_shared>> -> memref<10008x128xf32, #tpu.memory_space<vmem_shared>>
        tpu.wait_indirect_dma semaphore(%run_scoped3A_77 : memref<!tpu.dma_semaphore, #tpu.memory_space<semaphore_mem>>) src(%arg12 : memref<64x128xf32, #tpu.memory_space<vmem>>) dst(%dma_wait3A_83 : memref<10008x128xf32, #tpu.memory_space<vmem_shared>>)
        tpu.yield
      }) : () -> ()
      %add3A_70 = arith.constant 2 : i32
      %add3A_71 = arith.addi %add3A_59, %add3A_70 : i32
      %lt3A_72 = arith.constant 158 : i32
      %lt3A_73 = arith.cmpi slt, %add3A_71, %lt3A_72 : i32
      %convert_element_type3A_74 = arith.extui %lt3A_73 : i1 to i32
      %cond3A_75 = arith.constant 0 : i32
      %cond3A_76 = arith.cmpi ne, %convert_element_type3A_74, %cond3A_75 : i32
      scf.if %cond3A_76 {
        %add3A_77 = arith.constant 2 : i32
        %add3A_78 = arith.addi %add3A_59, %add3A_77 : i32
        %run_scoped3A_79 = arith.constant 0 : i32
        "tpu.region"() ({
          %run_scoped3A_92 = tpu.sem_alloc : memref<!tpu.dma_semaphore, #tpu.memory_space<semaphore_mem>>
          %dma_start3A_93 = arith.constant 0 : i32
          %dma_start3A_94 = tpu.memref_slice %arg4[%arg1, %add3A_78, %run_scoped3A_79, %dma_start3A_93] : memref<16x158x1x64xi32, #tpu.memory_space<hbm>> -> memref<1x1x1x64xi32, #tpu.memory_space<hbm>>
          %dma_start3A_95 = tpu.memref_squeeze %dma_start3A_94 : memref<1x1x1x64xi32, #tpu.memory_space<hbm>> -> memref<64xi32, #tpu.memory_space<hbm>>
          %dma_start3A_96 = arith.constant 0 : i32
          %dma_start3A_97 = tpu.memref_slice %arg4[%arg1, %add3A_78, %run_scoped3A_79, %dma_start3A_96] : memref<16x158x1x64xi32, #tpu.memory_space<hbm>> -> memref<1x1x1x64xi32, #tpu.memory_space<hbm>>
          %dma_start3A_98 = tpu.memref_squeeze %dma_start3A_97 : memref<1x1x1x64xi32, #tpu.memory_space<hbm>> -> memref<64xi32, #tpu.memory_space<hbm>>
          tpu.enqueue_dma source(%dma_start3A_98 : memref<64xi32, #tpu.memory_space<hbm>>) target(%arg10 : memref<64xi32, #tpu.memory_space<vmem>>) target_semaphore(%run_scoped3A_92 : memref<!tpu.dma_semaphore, #tpu.memory_space<semaphore_mem>>)
          %dma_wait3A_99 = arith.constant 0 : i32
          %dma_wait3A_100 = tpu.memref_slice %arg4[%arg1, %add3A_78, %run_scoped3A_79, %dma_wait3A_99] : memref<16x158x1x64xi32, #tpu.memory_space<hbm>> -> memref<1x1x1x64xi32, #tpu.memory_space<hbm>>
          %dma_wait3A_101 = tpu.memref_squeeze %dma_wait3A_100 : memref<1x1x1x64xi32, #tpu.memory_space<hbm>> -> memref<64xi32, #tpu.memory_space<hbm>>
          %dma_wait3A_102 = arith.constant 0 : i32
          %dma_wait3A_103 = tpu.memref_slice %arg4[%arg1, %add3A_78, %run_scoped3A_79, %dma_wait3A_102] : memref<16x158x1x64xi32, #tpu.memory_space<hbm>> -> memref<1x1x1x64xi32, #tpu.memory_space<hbm>>
          %dma_wait3A_104 = tpu.memref_squeeze %dma_wait3A_103 : memref<1x1x1x64xi32, #tpu.memory_space<hbm>> -> memref<64xi32, #tpu.memory_space<hbm>>
          tpu.wait_dma2 semaphore(%run_scoped3A_92 : memref<!tpu.dma_semaphore, #tpu.memory_space<semaphore_mem>>) src(%dma_wait3A_104 : memref<64xi32, #tpu.memory_space<hbm>>) dst(%arg10 : memref<64xi32, #tpu.memory_space<vmem>>)
          tpu.yield
        }) : () -> ()
        %add3A_80 = arith.constant 2 : i32
        %add3A_81 = arith.addi %add3A_59, %add3A_80 : i32
        %dma_wait3A_82 = arith.constant 0 : i32
        %dma_wait3A_83 = arith.constant 0 : i32
        %dma_wait3A_84 = tpu.memref_slice %arg3[%arg0, %arg1, %add3A_81, %dma_wait3A_82, %dma_wait3A_83] : memref<2x16x158x1x64xi32, #tpu.memory_space<hbm>> -> memref<1x1x1x1x64xi32, #tpu.memory_space<hbm>>
        %dma_wait3A_85 = tpu.memref_squeeze %dma_wait3A_84 : memref<1x1x1x1x64xi32, #tpu.memory_space<hbm>> -> memref<64xi32, #tpu.memory_space<hbm>>
        %dma_wait3A_86 = arith.constant 0 : i32
        %dma_wait3A_87 = tpu.memref_slice %arg3[%arg0, %arg1, %add3A_81, %dma_wait3A_82, %dma_wait3A_86] : memref<2x16x158x1x64xi32, #tpu.memory_space<hbm>> -> memref<1x1x1x1x64xi32, #tpu.memory_space<hbm>>
        %dma_wait3A_88 = tpu.memref_squeeze %dma_wait3A_87 : memref<1x1x1x1x64xi32, #tpu.memory_space<hbm>> -> memref<64xi32, #tpu.memory_space<hbm>>
        tpu.wait_dma2 semaphore(%arg17 : memref<!tpu.dma_semaphore, #tpu.memory_space<semaphore_mem>>) src(%dma_wait3A_88 : memref<64xi32, #tpu.memory_space<hbm>>) dst(%arg8 : memref<64xi32, #tpu.memory_space<vmem>>)
        %dma_start3A_89 = arith.constant 0 : i32
        %dma_start3A_90 = arith.constant 0 : i32
        %dma_start3A_91 = tpu.memref_slice %arg2[%dma_start3A_89, %dma_start3A_90] : memref<20000x128xf32, #tpu.memory_space<hbm>> -> memref<20000x128xf32, #tpu.memory_space<hbm>>
        tpu.enqueue_indirect_dma source(%dma_start3A_91 : memref<20000x128xf32, #tpu.memory_space<hbm>>) target(%arg12 : memref<64x128xf32, #tpu.memory_space<vmem>>) offsets(%arg8 : memref<64xi32, #tpu.memory_space<vmem>>) semaphore(%arg15 : memref<!tpu.dma_semaphore, #tpu.memory_space<semaphore_mem>>)
      } else {
      }
    }
    %scan3A_21 = arith.constant 79 : i32
    %barrier3A_22 = arith.constant 0 : index
    tpu.barrier barrier_id(%barrier3A_22)
    %lt3A_23 = arith.constant 15 : i32
    %lt3A_24 = arith.cmpi slt, %arg1, %lt3A_23 : i32
    %convert_element_type3A_25 = arith.extui %lt3A_24 : i1 to i32
    %cond3A_26 = arith.constant 0 : i32
    %cond3A_27 = arith.cmpi ne, %convert_element_type3A_25, %cond3A_26 : i32
    scf.if %cond3A_27 {
      %mul3A = arith.constant 632 : i32
      %mul3A_33 = arith.muli %arg1, %mul3A : i32
      %mul3A_34 = arith.constant 632 : i32
      %mul3A_35 = arith.muli %arg1, %mul3A_34 : i32
      "tpu.region"() ({
        %run_scoped3A_36 = tpu.sem_alloc : memref<!tpu.dma_semaphore, #tpu.memory_space<semaphore_mem>>
        %dma_start3A_37 = arith.constant 0 : i32
        %dma_start3A_38 = tpu.memref_slice %arg6[%arg0, %mul3A_35, %dma_start3A_37] : memref<2x10000x128xf32, #tpu.memory_space<hbm>> -> memref<1x632x128xf32, #tpu.memory_space<hbm>>
        %dma_start3A_39 = tpu.memref_squeeze %dma_start3A_38 : memref<1x632x128xf32, #tpu.memory_space<hbm>> -> memref<632x128xf32, #tpu.memory_space<hbm>>
        %dma_start3A_40 = arith.constant 0 : i32
        %dma_start3A_41 = tpu.memref_slice %arg13[%mul3A_33, %dma_start3A_40] : memref<10008x128xf32, #tpu.memory_space<vmem_shared>> -> memref<632x128xf32, #tpu.memory_space<vmem_shared>>
        tpu.enqueue_dma source(%dma_start3A_41 : memref<632x128xf32, #tpu.memory_space<vmem_shared>>) target(%dma_start3A_39 : memref<632x128xf32, #tpu.memory_space<hbm>>) target_semaphore(%run_scoped3A_36 : memref<!tpu.dma_semaphore, #tpu.memory_space<semaphore_mem>>)
        %dma_wait3A = arith.constant 0 : i32
        %dma_wait3A_42 = tpu.memref_slice %arg6[%arg0, %mul3A_35, %dma_wait3A] : memref<2x10000x128xf32, #tpu.memory_space<hbm>> -> memref<1x632x128xf32, #tpu.memory_space<hbm>>
        %dma_wait3A_43 = tpu.memref_squeeze %dma_wait3A_42 : memref<1x632x128xf32, #tpu.memory_space<hbm>> -> memref<632x128xf32, #tpu.memory_space<hbm>>
        %dma_wait3A_44 = arith.constant 0 : i32
        %dma_wait3A_45 = tpu.memref_slice %arg13[%mul3A_33, %dma_wait3A_44] : memref<10008x128xf32, #tpu.memory_space<vmem_shared>> -> memref<632x128xf32, #tpu.memory_space<vmem_shared>>
        tpu.wait_dma2 semaphore(%run_scoped3A_36 : memref<!tpu.dma_semaphore, #tpu.memory_space<semaphore_mem>>) src(%dma_wait3A_45 : memref<632x128xf32, #tpu.memory_space<vmem_shared>>) dst(%dma_wait3A_43 : memref<632x128xf32, #tpu.memory_space<hbm>>)
        tpu.yield
      }) : () -> ()
    } else {
    }
    %eq3A_28 = arith.constant 15 : i32
    %eq3A_29 = arith.cmpi eq, %arg1, %eq3A_28 : i32
    %convert_element_type3A_30 = arith.extui %eq3A_29 : i1 to i32
    %cond3A_31 = arith.constant 0 : i32
    %cond3A_32 = arith.cmpi ne, %convert_element_type3A_30, %cond3A_31 : i32
    scf.if %cond3A_32 {
      "tpu.region"() ({
        %run_scoped3A_33 = tpu.sem_alloc : memref<!tpu.dma_semaphore, #tpu.memory_space<semaphore_mem>>
        %dma_start3A_34 = arith.constant 9480 : i32
        %dma_start3A_35 = arith.constant 0 : i32
        %dma_start3A_36 = tpu.memref_slice %arg6[%arg0, %dma_start3A_34, %dma_start3A_35] : memref<2x10000x128xf32, #tpu.memory_space<hbm>> -> memref<1x520x128xf32, #tpu.memory_space<hbm>>
        %dma_start3A_37 = tpu.memref_squeeze %dma_start3A_36 : memref<1x520x128xf32, #tpu.memory_space<hbm>> -> memref<520x128xf32, #tpu.memory_space<hbm>>
        %dma_start3A_38 = arith.constant 9480 : i32
        %dma_start3A_39 = arith.constant 0 : i32
        %dma_start3A_40 = tpu.memref_slice %arg13[%dma_start3A_38, %dma_start3A_39] : memref<10008x128xf32, #tpu.memory_space<vmem_shared>> -> memref<520x128xf32, #tpu.memory_space<vmem_shared>>
        tpu.enqueue_dma source(%dma_start3A_40 : memref<520x128xf32, #tpu.memory_space<vmem_shared>>) target(%dma_start3A_37 : memref<520x128xf32, #tpu.memory_space<hbm>>) target_semaphore(%run_scoped3A_33 : memref<!tpu.dma_semaphore, #tpu.memory_space<semaphore_mem>>)
        %dma_wait3A = arith.constant 9480 : i32
        %dma_wait3A_41 = arith.constant 0 : i32
        %dma_wait3A_42 = tpu.memref_slice %arg6[%arg0, %dma_wait3A, %dma_wait3A_41] : memref<2x10000x128xf32, #tpu.memory_space<hbm>> -> memref<1x520x128xf32, #tpu.memory_space<hbm>>
        %dma_wait3A_43 = tpu.memref_squeeze %dma_wait3A_42 : memref<1x520x128xf32, #tpu.memory_space<hbm>> -> memref<520x128xf32, #tpu.memory_space<hbm>>
        %dma_wait3A_44 = arith.constant 9480 : i32
        %dma_wait3A_45 = arith.constant 0 : i32
        %dma_wait3A_46 = tpu.memref_slice %arg13[%dma_wait3A_44, %dma_wait3A_45] : memref<10008x128xf32, #tpu.memory_space<vmem_shared>> -> memref<520x128xf32, #tpu.memory_space<vmem_shared>>
        tpu.wait_dma2 semaphore(%run_scoped3A_33 : memref<!tpu.dma_semaphore, #tpu.memory_space<semaphore_mem>>) src(%dma_wait3A_46 : memref<520x128xf32, #tpu.memory_space<vmem_shared>>) dst(%dma_wait3A_43 : memref<520x128xf32, #tpu.memory_space<hbm>>)
        tpu.yield
      }) : () -> ()
    } else {
    }
    return
  }
}

module attributes {stable_mosaic.version = 14 : i64} {
  func.func @_mm1_body(%arg0: i32, %arg1: i32, %arg2: memref<2000x256xf32, #tpu.memory_space<vmem>>, %arg3: memref<256x128xf32, #tpu.memory_space<vmem>>, %arg4: memref<2000x2xf32, #tpu.memory_space<vmem>>, %arg5: memref<2000x128xf32, #tpu.memory_space<vmem>>) attributes {dimension_semantics = [#tpu.dimension_semantics<arbitrary>, #tpu.dimension_semantics<arbitrary>], iteration_bounds = array<i64: 5, 2>, scalar_prefetch = 0 : i64, scratch_operands = 0 : i64, tpu.core_type = #tpu.core_type<tc>, window_params = [{transform_indices = @transform_0, window_bounds = array<i64: 2000, 256>}, {transform_indices = @transform_1, window_bounds = array<i64: 256, 128>}, {transform_indices = @transform_2, window_bounds = array<i64: 2000, 2>}, {transform_indices = @transform_3, window_bounds = array<i64: 2000, 128>}]} {
    %get3A = arith.constant 0 : index
    %get3A_0 = arith.constant 0 : index
    %get3A_1 = vector.load %arg4[%get3A, %get3A_0] : memref<2000x2xf32, #tpu.memory_space<vmem>>, vector<2000x1xf32>
    %get3A_2 = arith.constant 0 : index
    %get3A_3 = arith.constant 1 : index
    %get3A_4 = vector.load %arg4[%get3A_2, %get3A_3] : memref<2000x2xf32, #tpu.memory_space<vmem>>, vector<2000x1xf32>
    %add3A = arith.addf %get3A_1, %get3A_4 : vector<2000x1xf32>
    %add3A_5 = arith.constant 1.000000e+00 : f32
    %add3A_6 = vector.broadcast %add3A_5 : f32 to vector<2000x1xf32>
    %add3A_7 = arith.addf %add3A, %add3A_6 : vector<2000x1xf32>
    %rsqrt3A = math.rsqrt %add3A_7 : vector<2000x1xf32>
    %get3A_8 = arith.constant 0 : index
    %get3A_9 = arith.constant 0 : index
    %get3A_10 = vector.load %arg2[%get3A_8, %get3A_9] : memref<2000x256xf32, #tpu.memory_space<vmem>>, vector<2000x256xf32>
    %get3A_11 = arith.constant 0 : index
    %get3A_12 = arith.constant 0 : index
    %get3A_13 = vector.load %arg3[%get3A_11, %get3A_12] : memref<256x128xf32, #tpu.memory_space<vmem>>, vector<256x128xf32>
    %dot_general3A = arith.constant dense<0.000000e+00> : vector<2000x128xf32>
    %dot_general3A_14 = tpu.matmul %get3A_10, %get3A_13, %dot_general3A {dimension_numbers = #tpu.dot_dimension_numbers<[1], [0], [0], [1], [0, 0, 1, 1], [], []>, transpose_lhs_hint = false} : vector<2000x256xf32>, vector<256x128xf32>, vector<2000x128xf32> -> vector<2000x128xf32>
    %mul3A = vector.broadcast %rsqrt3A : vector<2000x1xf32> to vector<2000x128xf32>
    %mul3A_15 = arith.mulf %dot_general3A_14, %mul3A : vector<2000x128xf32>
    %swap3A = arith.constant 0 : index
    %swap3A_16 = arith.constant 0 : index
    %swap3A_17 = vector.load %arg5[%swap3A, %swap3A_16] : memref<2000x128xf32, #tpu.memory_space<vmem>>, vector<2000x128xf32>
    tpu.vector_store %arg5[%swap3A, %swap3A_16], %mul3A_15 {strides = array<i32>} : memref<2000x128xf32, #tpu.memory_space<vmem>>, vector<2000x128xf32>,
    return
  }
  func.func @transform_0(%arg0: i32, %arg1: i32) -> (i32, i32) {
    %c0_i32 = arith.constant 0 : i32
    %c0_i32_0 = arith.constant 0 : i32
    return %arg0, %c0_i32 : i32, i32
  }
  func.func @transform_1(%arg0: i32, %arg1: i32) -> (i32, i32) {
    %c0_i32 = arith.constant 0 : i32
    %c0_i32_0 = arith.constant 0 : i32
    return %c0_i32, %arg1 : i32, i32
  }
  func.func @transform_2(%arg0: i32, %arg1: i32) -> (i32, i32) {
    %c0_i32 = arith.constant 0 : i32
    %c0_i32_0 = arith.constant 0 : i32
    return %arg0, %c0_i32 : i32, i32
  }
  func.func @transform_3(%arg0: i32, %arg1: i32) -> (i32, i32) {
    %mul3A = arith.constant 5 : i32
    %mul3A_0 = arith.muli %arg1, %mul3A : i32
    %add3A = arith.addi %mul3A_0, %arg0 : i32
    %c0_i32 = arith.constant 0 : i32
    %c0_i32_1 = arith.constant 0 : i32
    return %add3A, %c0_i32 : i32, i32
  }
}

module attributes {stable_mosaic.version = 14 : i64} {
  func.func @_mid_body(%arg0: i32, %arg1: i32, %arg2: memref<2x2000x128xf32, #tpu.memory_space<vmem>>, %arg3: memref<2x2000x128xf32, #tpu.memory_space<vmem>>, %arg4: memref<2000x2xf32, #tpu.memory_space<vmem>>, %arg5: memref<1x256xf32, #tpu.memory_space<vmem>>, %arg6: memref<256x128xf32, #tpu.memory_space<vmem>>, %arg7: memref<2000x128xf32, #tpu.memory_space<vmem>>) attributes {dimension_semantics = [#tpu.dimension_semantics<arbitrary>, #tpu.dimension_semantics<arbitrary>], iteration_bounds = array<i64: 5, 2>, scalar_prefetch = 0 : i64, scratch_operands = 0 : i64, tpu.core_type = #tpu.core_type<tc>, window_params = [{transform_indices = @transform_0, window_bounds = array<i64: 2, 2000, 128>}, {transform_indices = @transform_1, window_bounds = array<i64: 2, 2000, 128>}, {transform_indices = @transform_2, window_bounds = array<i64: 2000, 2>}, {pipeline_mode = #tpu.pipeline_mode<synchronous>, transform_indices = @transform_3, window_bounds = array<i64: 1, 256>}, {transform_indices = @transform_4, window_bounds = array<i64: 256, 128>}, {transform_indices = @transform_5, window_bounds = array<i64: 2000, 128>}]} {
    %get3A = arith.constant 0 : index
    %get3A_0 = arith.constant 0 : index
    %get3A_1 = vector.load %arg4[%get3A, %get3A_0] : memref<2000x2xf32, #tpu.memory_space<vmem>>, vector<2000x1xf32>
    %get3A_2 = arith.constant 0 : index
    %get3A_3 = arith.constant 1 : index
    %get3A_4 = vector.load %arg4[%get3A_2, %get3A_3] : memref<2000x2xf32, #tpu.memory_space<vmem>>, vector<2000x1xf32>
    %add3A = arith.addf %get3A_1, %get3A_4 : vector<2000x1xf32>
    %add3A_5 = arith.constant 1.000000e+00 : f32
    %add3A_6 = vector.broadcast %add3A_5 : f32 to vector<2000x1xf32>
    %add3A_7 = arith.addf %add3A, %add3A_6 : vector<2000x1xf32>
    %rsqrt3A = math.rsqrt %add3A_7 : vector<2000x1xf32>
    %get3A_8 = arith.constant 0 : index
    %get3A_9 = arith.constant 0 : index
    %get3A_10 = arith.constant 0 : index
    %get3A_11 = vector.load %arg2[%get3A_8, %get3A_9, %get3A_10] : memref<2x2000x128xf32, #tpu.memory_space<vmem>>, vector<1x2000x128xf32>
    %get3A_12 = vector.shape_cast %get3A_11 : vector<1x2000x128xf32> to vector<2000x128xf32>
    %get3A_13 = arith.constant 0 : index
    %get3A_14 = arith.constant 0 : index
    %get3A_15 = arith.constant 0 : index
    %get3A_16 = vector.load %arg3[%get3A_13, %get3A_14, %get3A_15] : memref<2x2000x128xf32, #tpu.memory_space<vmem>>, vector<1x2000x128xf32>
    %get3A_17 = vector.shape_cast %get3A_16 : vector<1x2000x128xf32> to vector<2000x128xf32>
    %add3A_18 = arith.addf %get3A_12, %get3A_17 : vector<2000x128xf32>
    %mul3A = vector.broadcast %rsqrt3A : vector<2000x1xf32> to vector<2000x128xf32>
    %mul3A_19 = arith.mulf %mul3A, %add3A_18 : vector<2000x128xf32>
    %get3A_20 = arith.constant 0 : index
    %get3A_21 = arith.constant 0 : index
    %get3A_22 = vector.load %arg5[%get3A_20, %get3A_21] : memref<1x256xf32, #tpu.memory_space<vmem>>, vector<1x128xf32>
    %add3A_23 = vector.broadcast %get3A_22 : vector<1x128xf32> to vector<2000x128xf32>
    %add3A_24 = arith.addf %mul3A_19, %add3A_23 : vector<2000x128xf32>
    %logistic3A = arith.negf %add3A_24 : vector<2000x128xf32>
    %logistic3A_25 = math.exp %logistic3A : vector<2000x128xf32>
    %logistic3A_26 = arith.constant 1.000000e+00 : f32
    %logistic3A_27 = vector.broadcast %logistic3A_26 : f32 to vector<2000x128xf32>
    %logistic3A_28 = arith.addf %logistic3A_27, %logistic3A_25 : vector<2000x128xf32>
    %logistic3A_29 = arith.divf %logistic3A_27, %logistic3A_28 : vector<2000x128xf32>
    %get3A_30 = arith.constant 1 : index
    %get3A_31 = arith.constant 0 : index
    %get3A_32 = arith.constant 0 : index
    %get3A_33 = vector.load %arg2[%get3A_30, %get3A_31, %get3A_32] : memref<2x2000x128xf32, #tpu.memory_space<vmem>>, vector<1x2000x128xf32>
    %get3A_34 = vector.shape_cast %get3A_33 : vector<1x2000x128xf32> to vector<2000x128xf32>
    %get3A_35 = arith.constant 1 : index
    %get3A_36 = arith.constant 0 : index
    %get3A_37 = arith.constant 0 : index
    %get3A_38 = vector.load %arg3[%get3A_35, %get3A_36, %get3A_37] : memref<2x2000x128xf32, #tpu.memory_space<vmem>>, vector<1x2000x128xf32>
    %get3A_39 = vector.shape_cast %get3A_38 : vector<1x2000x128xf32> to vector<2000x128xf32>
    %add3A_40 = arith.addf %get3A_34, %get3A_39 : vector<2000x128xf32>
    %mul3A_41 = vector.broadcast %rsqrt3A : vector<2000x1xf32> to vector<2000x128xf32>
    %mul3A_42 = arith.mulf %mul3A_41, %add3A_40 : vector<2000x128xf32>
    %get3A_43 = arith.constant 0 : index
    %get3A_44 = arith.constant 128 : index
    %get3A_45 = vector.load %arg5[%get3A_43, %get3A_44] : memref<1x256xf32, #tpu.memory_space<vmem>>, vector<1x128xf32>
    %add3A_46 = vector.broadcast %get3A_45 : vector<1x128xf32> to vector<2000x128xf32>
    %add3A_47 = arith.addf %mul3A_42, %add3A_46 : vector<2000x128xf32>
    %logistic3A_48 = arith.negf %add3A_47 : vector<2000x128xf32>
    %logistic3A_49 = math.exp %logistic3A_48 : vector<2000x128xf32>
    %logistic3A_50 = arith.constant 1.000000e+00 : f32
    %logistic3A_51 = vector.broadcast %logistic3A_50 : f32 to vector<2000x128xf32>
    %logistic3A_52 = arith.addf %logistic3A_51, %logistic3A_49 : vector<2000x128xf32>
    %logistic3A_53 = arith.divf %logistic3A_51, %logistic3A_52 : vector<2000x128xf32>
    %concatenate3A = tpu.concatenate %logistic3A_29, %logistic3A_53 in 1 : vector<2000x128xf32>, vector<2000x128xf32> -> vector<2000x256xf32>
    %get3A_54 = arith.constant 0 : index
    %get3A_55 = arith.constant 0 : index
    %get3A_56 = vector.load %arg6[%get3A_54, %get3A_55] : memref<256x128xf32, #tpu.memory_space<vmem>>, vector<256x128xf32>
    %dot_general3A = arith.constant dense<0.000000e+00> : vector<2000x128xf32>
    %dot_general3A_57 = tpu.matmul %concatenate3A, %get3A_56, %dot_general3A {dimension_numbers = #tpu.dot_dimension_numbers<[1], [0], [0], [1], [0, 0, 1, 1], [], []>, transpose_lhs_hint = false} : vector<2000x256xf32>, vector<256x128xf32>, vector<2000x128xf32> -> vector<2000x128xf32>
    %mul3A_58 = vector.broadcast %rsqrt3A : vector<2000x1xf32> to vector<2000x128xf32>
    %mul3A_59 = arith.mulf %dot_general3A_57, %mul3A_58 : vector<2000x128xf32>
    %swap3A = arith.constant 0 : index
    %swap3A_60 = arith.constant 0 : index
    %swap3A_61 = vector.load %arg7[%swap3A, %swap3A_60] : memref<2000x128xf32, #tpu.memory_space<vmem>>, vector<2000x128xf32>
    tpu.vector_store %arg7[%swap3A, %swap3A_60], %mul3A_59 {strides = array<i32>} : memref<2000x128xf32, #tpu.memory_space<vmem>>, vector<2000x128xf32>,
    return
  }
  func.func @transform_0(%arg0: i32, %arg1: i32) -> (i32, i32, i32) {
    %c0_i32 = arith.constant 0 : i32
    %c0_i32_0 = arith.constant 0 : i32
    %c0_i32_1 = arith.constant 0 : i32
    return %c0_i32, %arg0, %c0_i32_0 : i32, i32, i32
  }
  func.func @transform_1(%arg0: i32, %arg1: i32) -> (i32, i32, i32) {
    %c0_i32 = arith.constant 0 : i32
    %c0_i32_0 = arith.constant 0 : i32
    %c0_i32_1 = arith.constant 0 : i32
    return %c0_i32, %arg0, %c0_i32_0 : i32, i32, i32
  }
  func.func @transform_2(%arg0: i32, %arg1: i32) -> (i32, i32) {
    %c0_i32 = arith.constant 0 : i32
    %c0_i32_0 = arith.constant 0 : i32
    return %arg0, %c0_i32 : i32, i32
  }
  func.func @transform_3(%arg0: i32, %arg1: i32) -> (i32, i32) {
    %c0_i32 = arith.constant 0 : i32
    %c0_i32_0 = arith.constant 0 : i32
    %c0_i32_1 = arith.constant 0 : i32
    return %c0_i32, %c0_i32_0 : i32, i32
  }
  func.func @transform_4(%arg0: i32, %arg1: i32) -> (i32, i32) {
    %c0_i32 = arith.constant 0 : i32
    %c0_i32_0 = arith.constant 0 : i32
    return %c0_i32, %arg1 : i32, i32
  }
  func.func @transform_5(%arg0: i32, %arg1: i32) -> (i32, i32) {
    %mul3A = arith.constant 5 : i32
    %mul3A_0 = arith.muli %arg1, %mul3A : i32
    %add3A = arith.addi %mul3A_0, %arg0 : i32
    %c0_i32 = arith.constant 0 : i32
    %c0_i32_1 = arith.constant 0 : i32
    return %add3A, %c0_i32 : i32, i32
  }
}

module attributes {stable_mosaic.version = 14 : i64} {
  func.func @_head_body(%arg0: i32, %arg1: memref<2x2000x128xf32, #tpu.memory_space<vmem>>, %arg2: memref<2x2000x128xf32, #tpu.memory_space<vmem>>, %arg3: memref<2000x2xf32, #tpu.memory_space<vmem>>, %arg4: memref<1x256xf32, #tpu.memory_space<vmem>>, %arg5: memref<256x1xf32, #tpu.memory_space<vmem>>, %arg6: memref<1x1xf32, #tpu.memory_space<vmem>>, %arg7: memref<1x1xf32, #tpu.memory_space<vmem>>, %arg8: memref<1x256xf32, #tpu.memory_space<vmem>>) attributes {dimension_semantics = [#tpu.dimension_semantics<arbitrary>], iteration_bounds = array<i64: 5>, scalar_prefetch = 0 : i64, scratch_operands = 1 : i64, tpu.core_type = #tpu.core_type<tc>, window_params = [{transform_indices = @transform_0, window_bounds = array<i64: 2, 2000, 128>}, {transform_indices = @transform_1, window_bounds = array<i64: 2, 2000, 128>}, {transform_indices = @transform_2, window_bounds = array<i64: 2000, 2>}, {pipeline_mode = #tpu.pipeline_mode<synchronous>, transform_indices = @transform_3, window_bounds = array<i64: 1, 256>}, {pipeline_mode = #tpu.pipeline_mode<synchronous>, transform_indices = @transform_4, window_bounds = array<i64: 256, 1>}, {pipeline_mode = #tpu.pipeline_mode<synchronous>, transform_indices = @transform_5, window_bounds = array<i64: 1, 1>}, {pipeline_mode = #tpu.pipeline_mode<synchronous>, transform_indices = @transform_6, window_bounds = array<i64: 1, 1>}]} {
    %get3A = arith.constant 0 : index
    %get3A_0 = arith.constant 0 : index
    %get3A_1 = vector.load %arg3[%get3A, %get3A_0] : memref<2000x2xf32, #tpu.memory_space<vmem>>, vector<2000x1xf32>
    %get3A_2 = arith.constant 0 : index
    %get3A_3 = arith.constant 1 : index
    %get3A_4 = vector.load %arg3[%get3A_2, %get3A_3] : memref<2000x2xf32, #tpu.memory_space<vmem>>, vector<2000x1xf32>
    %add3A = arith.addf %get3A_1, %get3A_4 : vector<2000x1xf32>
    %add3A_5 = arith.constant 1.000000e+00 : f32
    %add3A_6 = vector.broadcast %add3A_5 : f32 to vector<2000x1xf32>
    %add3A_7 = arith.addf %add3A, %add3A_6 : vector<2000x1xf32>
    %rsqrt3A = math.rsqrt %add3A_7 : vector<2000x1xf32>
    %get3A_8 = arith.constant 0 : index
    %get3A_9 = arith.constant 0 : index
    %get3A_10 = arith.constant 0 : index
    %get3A_11 = vector.load %arg1[%get3A_8, %get3A_9, %get3A_10] : memref<2x2000x128xf32, #tpu.memory_space<vmem>>, vector<1x2000x128xf32>
    %get3A_12 = vector.shape_cast %get3A_11 : vector<1x2000x128xf32> to vector<2000x128xf32>
    %get3A_13 = arith.constant 0 : index
    %get3A_14 = arith.constant 0 : index
    %get3A_15 = arith.constant 0 : index
    %get3A_16 = vector.load %arg2[%get3A_13, %get3A_14, %get3A_15] : memref<2x2000x128xf32, #tpu.memory_space<vmem>>, vector<1x2000x128xf32>
    %get3A_17 = vector.shape_cast %get3A_16 : vector<1x2000x128xf32> to vector<2000x128xf32>
    %add3A_18 = arith.addf %get3A_12, %get3A_17 : vector<2000x128xf32>
    %mul3A = vector.broadcast %rsqrt3A : vector<2000x1xf32> to vector<2000x128xf32>
    %mul3A_19 = arith.mulf %mul3A, %add3A_18 : vector<2000x128xf32>
    %get3A_20 = arith.constant 0 : index
    %get3A_21 = arith.constant 0 : index
    %get3A_22 = vector.load %arg4[%get3A_20, %get3A_21] : memref<1x256xf32, #tpu.memory_space<vmem>>, vector<1x128xf32>
    %add3A_23 = vector.broadcast %get3A_22 : vector<1x128xf32> to vector<2000x128xf32>
    %add3A_24 = arith.addf %mul3A_19, %add3A_23 : vector<2000x128xf32>
    %logistic3A = arith.negf %add3A_24 : vector<2000x128xf32>
    %logistic3A_25 = math.exp %logistic3A : vector<2000x128xf32>
    %logistic3A_26 = arith.constant 1.000000e+00 : f32
    %logistic3A_27 = vector.broadcast %logistic3A_26 : f32 to vector<2000x128xf32>
    %logistic3A_28 = arith.addf %logistic3A_27, %logistic3A_25 : vector<2000x128xf32>
    %logistic3A_29 = arith.divf %logistic3A_27, %logistic3A_28 : vector<2000x128xf32>
    %get3A_30 = arith.constant 1 : index
    %get3A_31 = arith.constant 0 : index
    %get3A_32 = arith.constant 0 : index
    %get3A_33 = vector.load %arg1[%get3A_30, %get3A_31, %get3A_32] : memref<2x2000x128xf32, #tpu.memory_space<vmem>>, vector<1x2000x128xf32>
    %get3A_34 = vector.shape_cast %get3A_33 : vector<1x2000x128xf32> to vector<2000x128xf32>
    %get3A_35 = arith.constant 1 : index
    %get3A_36 = arith.constant 0 : index
    %get3A_37 = arith.constant 0 : index
    %get3A_38 = vector.load %arg2[%get3A_35, %get3A_36, %get3A_37] : memref<2x2000x128xf32, #tpu.memory_space<vmem>>, vector<1x2000x128xf32>
    %get3A_39 = vector.shape_cast %get3A_38 : vector<1x2000x128xf32> to vector<2000x128xf32>
    %add3A_40 = arith.addf %get3A_34, %get3A_39 : vector<2000x128xf32>
    %mul3A_41 = vector.broadcast %rsqrt3A : vector<2000x1xf32> to vector<2000x128xf32>
    %mul3A_42 = arith.mulf %mul3A_41, %add3A_40 : vector<2000x128xf32>
    %get3A_43 = arith.constant 0 : index
    %get3A_44 = arith.constant 128 : index
    %get3A_45 = vector.load %arg4[%get3A_43, %get3A_44] : memref<1x256xf32, #tpu.memory_space<vmem>>, vector<1x128xf32>
    %add3A_46 = vector.broadcast %get3A_45 : vector<1x128xf32> to vector<2000x128xf32>
    %add3A_47 = arith.addf %mul3A_42, %add3A_46 : vector<2000x128xf32>
    %logistic3A_48 = arith.negf %add3A_47 : vector<2000x128xf32>
    %logistic3A_49 = math.exp %logistic3A_48 : vector<2000x128xf32>
    %logistic3A_50 = arith.constant 1.000000e+00 : f32
    %logistic3A_51 = vector.broadcast %logistic3A_50 : f32 to vector<2000x128xf32>
    %logistic3A_52 = arith.addf %logistic3A_51, %logistic3A_49 : vector<2000x128xf32>
    %logistic3A_53 = arith.divf %logistic3A_51, %logistic3A_52 : vector<2000x128xf32>
    %reduce_sum3A = arith.constant dense<0.000000e+00> : vector<128xf32>
    %reduce_sum3A_54 = vector.multi_reduction <add>, %logistic3A_29, %reduce_sum3A [0] : vector<2000x128xf32> to vector<128xf32>
    %broadcast_in_dim3A = vector.shape_cast %reduce_sum3A_54 : vector<128xf32> to vector<1x128xf32>
    %reduce_sum3A_55 = arith.constant dense<0.000000e+00> : vector<128xf32>
    %reduce_sum3A_56 = vector.multi_reduction <add>, %logistic3A_53, %reduce_sum3A_55 [0] : vector<2000x128xf32> to vector<128xf32>
    %broadcast_in_dim3A_57 = vector.shape_cast %reduce_sum3A_56 : vector<128xf32> to vector<1x128xf32>
    %concatenate3A = tpu.concatenate %broadcast_in_dim3A, %broadcast_in_dim3A_57 in 1 : vector<1x128xf32>, vector<1x128xf32> -> vector<1x256xf32>
    %eq3A = arith.constant 0 : i32
    %eq3A_58 = arith.cmpi eq, %arg0, %eq3A : i32
    %convert_element_type3A = arith.extui %eq3A_58 : i1 to i32
    %cond3A = arith.constant 0 : i32
    %cond3A_59 = arith.cmpi ne, %convert_element_type3A, %cond3A : i32
    scf.if %cond3A_59 {
      %swap3A = arith.constant 0 : index
      %swap3A_69 = arith.constant 0 : index
      %swap3A_70 = vector.load %arg8[%swap3A, %swap3A_69] : memref<1x256xf32, #tpu.memory_space<vmem>>, vector<1x256xf32>
      tpu.vector_store %arg8[%swap3A, %swap3A_69], %concatenate3A {strides = array<i32>} : memref<1x256xf32, #tpu.memory_space<vmem>>, vector<1x256xf32>,
    } else {
    }
    %gt3A = arith.constant 0 : i32
    %gt3A_60 = arith.cmpi sgt, %arg0, %gt3A : i32
    %convert_element_type3A_61 = arith.extui %gt3A_60 : i1 to i32
    %cond3A_62 = arith.constant 0 : i32
    %cond3A_63 = arith.cmpi ne, %convert_element_type3A_61, %cond3A_62 : i32
    scf.if %cond3A_63 {
      %get3A_69 = arith.constant 0 : index
      %get3A_70 = arith.constant 0 : index
      %get3A_71 = vector.load %arg8[%get3A_69, %get3A_70] : memref<1x256xf32, #tpu.memory_space<vmem>>, vector<1x256xf32>
      %add3A_72 = arith.addf %get3A_71, %concatenate3A : vector<1x256xf32>
      %swap3A = arith.constant 0 : index
      %swap3A_73 = arith.constant 0 : index
      %swap3A_74 = vector.load %arg8[%swap3A, %swap3A_73] : memref<1x256xf32, #tpu.memory_space<vmem>>, vector<1x256xf32>
      tpu.vector_store %arg8[%swap3A, %swap3A_73], %add3A_72 {strides = array<i32>} : memref<1x256xf32, #tpu.memory_space<vmem>>, vector<1x256xf32>,
    } else {
    }
    %eq3A_64 = arith.constant 4 : i32
    %eq3A_65 = arith.cmpi eq, %arg0, %eq3A_64 : i32
    %convert_element_type3A_66 = arith.extui %eq3A_65 : i1 to i32
    %cond3A_67 = arith.constant 0 : i32
    %cond3A_68 = arith.cmpi ne, %convert_element_type3A_66, %cond3A_67 : i32
    scf.if %cond3A_68 {
      %get3A_69 = arith.constant 0 : index
      %get3A_70 = arith.constant 0 : index
      %get3A_71 = vector.load %arg8[%get3A_69, %get3A_70] : memref<1x256xf32, #tpu.memory_space<vmem>>, vector<1x256xf32>
      %mul3A_72 = arith.constant 9.99999974E-5 : f32
      %mul3A_73 = vector.broadcast %mul3A_72 : f32 to vector<1x256xf32>
      %mul3A_74 = arith.mulf %get3A_71, %mul3A_73 : vector<1x256xf32>
      %get3A_75 = arith.constant 0 : index
      %get3A_76 = arith.constant 0 : index
      %get3A_77 = vector.load %arg5[%get3A_75, %get3A_76] : memref<256x1xf32, #tpu.memory_space<vmem>>, vector<256x1xf32>
      %dot_general3A = arith.constant dense<0.000000e+00> : vector<1x1xf32>
      %dot_general3A_78 = tpu.matmul %mul3A_74, %get3A_77, %dot_general3A {dimension_numbers = #tpu.dot_dimension_numbers<[1], [0], [0], [1], [0, 0, 1, 1], [], []>, transpose_lhs_hint = false} : vector<1x256xf32>, vector<256x1xf32>, vector<1x1xf32> -> vector<1x1xf32>
      %get3A_79 = arith.constant 0 : index
      %get3A_80 = arith.constant 0 : index
      %get3A_81 = vector.load %arg6[%get3A_79, %get3A_80] : memref<1x1xf32, #tpu.memory_space<vmem>>, vector<1x1xf32>
      %add3A_82 = arith.addf %dot_general3A_78, %get3A_81 : vector<1x1xf32>
      %logistic3A_83 = arith.negf %add3A_82 : vector<1x1xf32>
      %logistic3A_84 = math.exp %logistic3A_83 : vector<1x1xf32>
      %logistic3A_85 = arith.constant 1.000000e+00 : f32
      %logistic3A_86 = vector.broadcast %logistic3A_85 : f32 to vector<1x1xf32>
      %logistic3A_87 = arith.addf %logistic3A_86, %logistic3A_84 : vector<1x1xf32>
      %logistic3A_88 = arith.divf %logistic3A_86, %logistic3A_87 : vector<1x1xf32>
      %swap3A = arith.constant 0 : index
      %swap3A_89 = arith.constant 0 : index
      %swap3A_90 = vector.load %arg7[%swap3A, %swap3A_89] : memref<1x1xf32, #tpu.memory_space<vmem>>, vector<1x1xf32>
      tpu.vector_store %arg7[%swap3A, %swap3A_89], %logistic3A_88 {strides = array<i32>} : memref<1x1xf32, #tpu.memory_space<vmem>>, vector<1x1xf32>,
    } else {
    }
    return
  }
  func.func @transform_0(%arg0: i32) -> (i32, i32, i32) {
    %c0_i32 = arith.constant 0 : i32
    %c0_i32_0 = arith.constant 0 : i32
    %c0_i32_1 = arith.constant 0 : i32
    return %c0_i32, %arg0, %c0_i32_0 : i32, i32, i32
  }
  func.func @transform_1(%arg0: i32) -> (i32, i32, i32) {
    %c0_i32 = arith.constant 0 : i32
    %c0_i32_0 = arith.constant 0 : i32
    %c0_i32_1 = arith.constant 0 : i32
    return %c0_i32, %arg0, %c0_i32_0 : i32, i32, i32
  }
  func.func @transform_2(%arg0: i32) -> (i32, i32) {
    %c0_i32 = arith.constant 0 : i32
    %c0_i32_0 = arith.constant 0 : i32
    return %arg0, %c0_i32 : i32, i32
  }
  func.func @transform_3(%arg0: i32) -> (i32, i32) {
    %c0_i32 = arith.constant 0 : i32
    %c0_i32_0 = arith.constant 0 : i32
    %c0_i32_1 = arith.constant 0 : i32
    return %c0_i32, %c0_i32_0 : i32, i32
  }
  func.func @transform_4(%arg0: i32) -> (i32, i32) {
    %c0_i32 = arith.constant 0 : i32
    %c0_i32_0 = arith.constant 0 : i32
    %c0_i32_1 = arith.constant 0 : i32
    return %c0_i32, %c0_i32_0 : i32, i32
  }
  func.func @transform_5(%arg0: i32) -> (i32, i32) {
    %c0_i32 = arith.constant 0 : i32
    %c0_i32_0 = arith.constant 0 : i32
    %c0_i32_1 = arith.constant 0 : i32
    return %c0_i32, %c0_i32_0 : i32, i32
  }
  func.func @transform_6(%arg0: i32) -> (i32, i32) {
    %c0_i32 = arith.constant 0 : i32
    %c0_i32_0 = arith.constant 0 : i32
    %c0_i32_1 = arith.constant 0 : i32
    return %c0_i32, %c0_i32_0 : i32, i32
  }
}

</mosaic_0001>

<sc_bundles>
// kernel: closed_call.12.cloned.1.call-start
scs
__scs_entry_jumppad:
0x0: {  	(pc) =	sbr.rel $0x88, $3  }
0x1: {  	(tag) =	ssettag $0x0;
	lr =	simm.s32 $0x1  }
0x2: {  	[smem:$0x3F99] =	sst lr;
	_ =	strace $0xD0000000  }
0x3: {  	_ = 	snop  }
0x4: {  	_ = 	snop  }
0x5: {  	_ = 	snop  }
0x6: {  	_ = 	snop  }
0x7: {  	_ = 	snop  }
__scs_overlays_trampoline_lowered:
0x8: {  	[smem:$0x3FA8] =	sst s0  }
0x9: {  	[smem:$0x3FA9] =	sst s1  }
0xa: {  	[smem:$0x3FAA] =	sst s2  }
0xb: {  	[smem:$0x3FAB] =	sst s3  }
0xc: {  	[smem:$0x3FAC] =	sst s4  }
0xd: {  	[smem:$0x3FAD] =	sst s5  }
0xe: {  	[smem:$0x3FAE] =	sst s6  }
0xf: {  	[smem:$0x3FAF] =	sst s7  }
0x10: {  	[smem:$0x3FB0] =	sst s8  }
0x11: {  	[smem:$0x3FB1] =	sst s9;
	s0 =	simm.s32 @!p0 $0x0  }
0x12: {  	s1 =	sld [smem:$0x3F97];
	s0 =	simm.s32 @p0 $0x1  }
0x13: {  	[smem:$0x3FB2] =	sst s0;
	s0 =	simm.s32 @!p1 $0x0  }
0x14: {  	s2 =	sld [smem:$0x3F96];
	s0 =	simm.s32 @p1 $0x1  }
0x15: {  	[smem:$0x3FB3] =	sst s0;
	s0 =	simm.s32 @!p2 $0x0  }
0x16: {  	s3 =	sld [smem:$0x3FDB];
	s0 =	simm.s32 @p2 $0x1  }
0x17: {  	s4 =	simm.s32 $0x1BF5;
	[smem:$0x3FB5] =	sst s0  }
0x18: {  	s0 =	sld [smem:$0x3F98];
	_ =	swait.ge [sflag:s4], $0x0  }
0x19: {  	s7 =	sld [smem:$0x3F99]  }
0x1a: {  	s8 =	sadd.s32 $0xFFFFE003, lr  }
0x1b: {  	s9 =	sadd.s32 $0xFFFFFEF7, lr;
	s5 =	simm.s32 $0xFFFFFFFF;
	p2 =	slt.u32 s8, $0xFFFFF086  }
0x1c: {  	p1 =	slt.u32 s9, $0xF7A;
	s5 =	simm.s32 @!p2 $0x0  }
0x1d: {  	s5 =	simm.s32 @p1 $0x1;
	p0 =	seq.s32 s7, s2  }
0x1e: {  	s7 =	smul.u32 @!p0 $0xF7A, s2;
	p2 =	seq.s32 @!p0 s5, $0x0  }
0x1f: {  	s9 =	smul.u32 $0xF7A, s1;
	s8 =	simm.s32 @!p0 $0x1BF5;
	p2 =	por !p2, p0  }
0x20: {  	[sflag:s8] =	ssyncset.s32 @!p0 $0xFFFFF086;
	s6 =	sadd.s32 @!p0 s3, s7;
	s7 =	simm.s32 @!p0 $0x108  }
0x21: {  	s3 =	sadd.s32 s3, s9;
	s6 =	sadd.s32 @!p0 $0x88, s6;
	s7 =	simm.s32 @p2 $0x1082  }
0x22: {  	[simem:s7], [sflag:s8] =	dma.local @!p0 [hbm:s6], $0xF7A  }
0x23: {  	s9 =	sor.u32 $0xD0000000, s2;
	s6 =	simm.s32 $0x108;
	_ =	swait.ge @!p0 [sflag:s8], $0x0  }
0x24: {  	s3 =	sadd.s32 $0x88, s3;
	s6 =	simm.s32 @!p1 $0x1082;
	[sflag:s4] =	ssyncset.s32 $0xFFFFF086  }
0x25: {  	[simem:s6], [sflag:s4] =	dma.local [hbm:s3], $0xF7A  }
0x26: {  	[smem:$0x3F99] =	sst s1;
	(tag) =	ssettag s2;
	_ =	strace s9  }
0x27: {  	s1 =	sld [smem:$0x3FA9]  }
0x28: {  	s2 =	sld [smem:$0x3FAA]  }
0x29: {  	s4 =	sld [smem:$0x3FAC]  }
0x2a: {  	p0 =	seq.s32 s5, $0x0;
	s5 =	sld [smem:$0x3FAD]  }
0x2b: {  	s6 =	sld [smem:$0x3FAE]  }
0x2c: {  	s7 =	sld [smem:$0x3FAF]  }
0x2d: {  	s3 =	simm.s32 $0x108;
	s8 =	sld [smem:$0x3FB0]  }
0x2e: {  	s3 =	simm.s32 @!p0 $0x1082;
	s9 =	sld [smem:$0x3FB1]  }
0x2f: {  	lr =	sadd.s32 s0, s3;
	s0 =	sld [smem:$0x3FA8]  }
0x30: {  	s3 =	sld [smem:$0x3FAB]  }
0x31: {  	[smem:$0x3FB4] =	sst s10  }
0x32: {  	s10 =	sld [smem:$0x3FB2];
	_ =	sdelay $0x3  }
0x33: {  	p0 =	seq.s32 s10, $0x1;
	s10 =	sld [smem:$0x3FB4];
	_ =	sdelay $0x3  }
0x34: {  	[smem:$0x3FB4] =	sst s10  }
0x35: {  	s10 =	sld [smem:$0x3FB3];
	_ =	sdelay $0x3  }
0x36: {  	p1 =	seq.s32 s10, $0x1;
	s10 =	sld [smem:$0x3FB4];
	_ =	sdelay $0x3  }
0x37: {  	[smem:$0x3FB4] =	sst s10  }
0x38: {  	s10 =	sld [smem:$0x3FB5]  }
0x39: {  	_ = 	snop;
	(pc) =	sbr.ind lr, $3  }
0x3a: {  	_ = 	snop  }
0x3b: {  	_ = 	snop  }
0x3c: {  	p2 =	seq.s32 s10, $0x1;
	s10 =	sld [smem:$0x3FB4]  }
0x3d: {  	_ =	shalt  }
0x3e: {  	_ =	shalt  }
0x3f: {  	_ =	shalt  }
0x40: {  	_ =	shalt  }
0x41: {  	_ =	shalt  }
0x42: {  	_ =	shalt  }
0x43: {  	_ =	shalt  }
0x44: {  	_ =	shalt  }
0x45: {  	_ =	shalt  }
0x46: {  	_ =	shalt  }
0x47: {  	_ =	shalt  }
0x48: {  	_ =	shalt  }
0x49: {  	_ =	shalt  }
0x4a: {  	_ =	shalt  }
0x4b: {  	_ =	shalt  }
0x4c: {  	_ =	shalt  }
0x4d: {  	_ =	shalt  }
0x4e: {  	_ =	shalt  }
0x4f: {  	_ =	shalt  }
0x50: {  	_ =	shalt  }
0x51: {  	_ =	shalt  }
0x52: {  	_ =	shalt  }
0x53: {  	_ =	shalt  }
0x54: {  	_ =	shalt  }
0x55: {  	_ =	shalt  }
0x56: {  	_ =	shalt  }
0x57: {  	_ =	shalt  }
0x58: {  	_ =	shalt  }
0x59: {  	_ =	shalt  }
0x5a: {  	_ =	shalt  }
0x5b: {  	_ =	shalt  }
0x5c: {  	_ =	shalt  }
0x5d: {  	_ =	shalt  }
0x5e: {  	_ =	shalt  }
0x5f: {  	_ =	shalt  }
0x60: {  	_ =	shalt  }
0x61: {  	_ =	shalt  }
0x62: {  	_ =	shalt  }
0x63: {  	_ =	shalt  }
0x64: {  	_ =	shalt  }
0x65: {  	_ =	shalt  }
0x66: {  	_ =	shalt  }
0x67: {  	_ =	shalt  }
0x68: {  	_ =	shalt  }
0x69: {  	_ =	shalt  }
0x6a: {  	_ =	shalt  }
0x6b: {  	_ =	shalt  }
0x6c: {  	_ =	shalt  }
0x6d: {  	_ =	shalt  }
0x6e: {  	_ =	shalt  }
0x6f: {  	_ =	shalt  }
0x70: {  	_ =	shalt  }
0x71: {  	_ =	shalt  }
0x72: {  	_ =	shalt  }
0x73: {  	_ =	shalt  }
0x74: {  	_ =	shalt  }
0x75: {  	_ =	shalt  }
0x76: {  	_ =	shalt  }
0x77: {  	_ =	shalt  }
0x78: {  	_ =	shalt  }
0x79: {  	_ =	shalt  }
0x7a: {  	_ =	shalt  }
0x7b: {  	_ =	shalt  }
0x7c: {  	_ =	shalt  }
0x7d: {  	_ =	shalt  }
0x7e: {  	_ =	shalt  }
0x7f: {  	_ =	shalt  }
0x80: {  	_ =	shalt  }
0x81: {  	_ =	shalt  }
0x82: {  	_ =	shalt  }
0x83: {  	_ =	shalt  }
0x84: {  	_ =	shalt  }
0x85: {  	_ =	shalt  }
0x86: {  	_ =	shalt  }
0x87: {  	_ =	shalt  }
.Lfunc_end0:
.L_simem_size_0:
called_computation_lowered:
.L_overlay_start_0:
0x88: {  	s2 =	sld [smem:$0x3FD9]  }
0x89: {  	s3 =	sld [smem:$0x3FFE];
	_ =	sdelay $0x1  }
0x8a: {  	s1 =	srdreg.scid  }
0x8b: {  	s0 =	sand.u32 $0x1, s1  }
0x8c: {  	s16 =	sshll.u32 s0, $0xA;
	s2 =	sadd.s32 s3, s2  }
0x8d: {  	s2 =	sadd.s32 s2, s16  }
0x8e: {  	[smem:$0x3FC0] =	sst s2  }
0x8f: {  	_ = 	snop  }
0x90: {  	(tm) =	ssettm $0x1  }
0x91: {  	s17 =	sld [smem:$0x3FFB];
	_ =	sdelay $0x3  }
0x92: {  	_ =	strace s17  }
0x93: {  	s2 =	sld [smem:$0x3FFC];
	_ =	sdelay $0x3  }
0x94: {  	_ =	strace s2  }
0x95: {  	s2 =	sld [smem:$0x3FFD];
	_ =	sdelay $0x3  }
0x96: {  	_ =	strace s2  }
0x97: {  	_ =	strace $0x8FFFFFFF  }
0x98: {  	s18 =	sld [smem:$0x3FDB];
	_ =	sdelay $0x1  }
0x99: {  	s19 =	simm.s32 $_scs_section_size  }
0x9a: {  	s4 =	simm.s32 $_size__tile_overlayer_lowered;
	s5 =	simm.s32 $_tile_overlayer_lowered  }
0x9b: {  	s22 =	simm.s32 $0x1BFF;
	s21 =	sshll.u32 s5, $0x1;
	s2 =	sadd.s32 s19, s18  }
0x9c: {  	s6 =	simm.s32 $0x0;
	s20 =	sshll.u32 s4, $0x1;
	s4 =	sadd.s32 s21, s2  }
0x9d: {  	[timem:s6], [sflag:s22] =	dma.local [hbm:s4], s20  }
0x9e: {  	_ =	swait.ge [sflag:s22], s20  }
0x9f: {  	s3 =	ssub.s32 $0x0, s20;
	[sflag:s22] =	ssyncset.done $0x0  }
0xa0: {  	[sflag:s22] =	ssyncadd.s32 s3;
	_ =	sdelay $0x1  }
0xa1: {  	s23 =	simm.s32 $0x1B8B  }
0xa2: {  	_ =	swait.ge [sflag:s23], $0x1  }
0xa3: {  	[sflag:s23] =	ssyncset.done $0x0  }
0xa4: {  	s25 =	simm.s32 $0x1B8E;
	s24 =	sld [smem:$0x3FFE];
	[sflag:s23] =	ssyncadd.s32 $0xFFFFFFFF  }
0xa5: {  	s26 =	simm.s32 $execute0_lowered;
	[smem:$0x3FD2] =	sst s25  }
0xa6: {  	s4 =	sshll.u32 s26, $0x1;
	_ =	strace $0x80000049;
	[dreg:$0x1] =	wrdreg $0xFFFFFFFF  }
0xa7: {  	s28 =	simm.s32 $_size_execute0_lowered;
	s2 =	sadd.s32 s2, s4;
	[dreg:$0x0] =	wrdreg $0x0  }
0xa8: {  	s4 =	sshll.u32 s28, $0x1;
	[dreg:$0x2] =	wrdreg s2  }
0xa9: {  	[dreg:$0x3] =	wrdreg s4  }
0xaa: {  	[dreg:$0x4] =	wrdreg $0xC0  }
0xab: {  	_ =	task [dreg:s6], $0x5FFFF  }
0xac: {  	[dreg:$0x1] =	wrdreg $0xFFFFFFFF  }
0xad: {  	[dreg:$0x0] =	wrdreg $0x60  }
0xae: {  	[dreg:$0x2] =	wrdreg s24  }
0xaf: {  	[dreg:$0x3] =	wrdreg $0x42000  }
0xb0: {  	[dreg:$0x4] =	wrdreg $0x9  }
0xb1: {  	_ =	task.clear_ibuf [dreg:s6], $0x5FFFF;
	_ =	strace $0x90000049  }
0xb2: {  	s29 =	simm.s32 $0x9;
	_ =	strace $0x8000004B  }
0xb3: {  	_ =	swait.ge [sflag:s29], $0x1  }
0xb4: {  	[sflag:s29] =	ssyncadd.s32 $0xFFFFFFFF  }
0xb5: {  	_ =	strace $0x9000004B  }
0xb6: {  	_ =	sfence  }
0xb7: {  	s30 =	sld [smem:$0x0];
	_ =	sdelay $0x2  }
0xb8: {  	s31 =	sshll.u32 s1, $0xD;
	s1 =	sshrl.u32 s1, $0x2  }
0xb9: {  	s3 =	sand.u32 $0x4000, s31;
	s1 =	sadd.s32 s1, s30  }
0xba: {  	s0 =	sor.u32 s3, s0;
	s1 =	sshll.u32 s1, $0x11  }
0xbb: {  	s0 =	sor.u32 s1, s0  }
0xbc: {  	s0 =	sadd.s32 $0x8F2B, s0  }
0xbd: {  	[sflag:s0] =	ssyncadd.remote.s32 $0x1  }
0xbe: {  	_ =	sfence.sel $0xFFFF  }
0xbf: {  	[dreg:$0x0] =	wrdreg $0xFFFFFFFF;
	(pc) =	sbr.abs _section_cstart, $3  }
0xc0: {  	[dreg:$0x1] =	wrdreg $0xFFFFFFFF  }
0xc1: {  	_ =	task.clear_ibuf [dreg:s6], $0x2FFFF;
	_ =	strace $0x9FFFFFFF  }
0xc2: {  	(tm) =	ssettm $0x7FFFFFFF  }
0xc3: {  	_ =	shalt  }
tec
execute0_lowered:
.L_overlay_start_1:
0x0: {  	(tag) =	ssettag $0x1  }
0x1: {  	s0 =	rddreg [dreg:$0x0]  }
0x2: {  	s1 =	rddreg [dreg:$0x1];
	s3 =	simm.s32 $0x0  }
0x3: {  	s2 =	srdreg.scid;
	s18 =	stileid.u32;
	s28 =	simm.s32 $0x1  }
0x4: {  	s29 =	simm.s32 $0x3;
	s30 =	simm.s32 $0x2;
	s31 =	simm.s32 $0x4  }
0x5: {  	[smem:$0x7FF] =	sst s3;
	s4 =	sadd.s32 $0xA6A00, s0;
	s7 =	smul.u32 $0x4F000, s18  }
0x6: {  	s2 =	sand.u32 $0x1, s2;
	s5 =	sadd.s32 $0x125C00, s0;
	s12 =	smul.u32 $0x4F00, s18  }
0x7: {  	s10 =	sadd.s32 $0xF4C00, s0;
	s6 =	sadd.s32 $0x139800, s0;
	s20 =	smul.u32 $0x13C00, s18  }
0x8: {  	s0 =	sadd.s32 $0x9400, s0;
	s17 =	sadd.s32 $0x128400, s1;
	s25 =	smul.u32 $0x9E0, s18  }
0x9: {  	p0 =	seq.s32 s18, $0xF;
	_ =	strace $0x8000004A;
	s9 =	smul.u32 $0x4F000, s2  }
0xa: {  	s8 =	ssub.s32 $0x2, s2;
	s2 =	smul.u32 $0x138800, s2;
	s17 =	sshrl.u32 @p0 s17, $0x3  }
0xb: {  	s11 =	sshrl.u32 s8, $0x1;
	s7 =	sshrl.u32 s7, $0x2;
	s21 =	sshrl.u32 s12, $0x3  }
0xc: {  	s15 =	sadd.s32 s25, s10;
	s25 =	simm.s32 $0x180;
	s13 =	ssub.s32 s8, s11  }
0xd: {  	s9 =	sadd.s32 s12, s9;
	s7 =	sadd.s32 s7, s1;
	s8 =	sadd.s32 s10, s21  }
0xe: {  	s11 =	sadd.s32 s20, s2;
	s2 =	sshrl.u32 s2, $0x3;
	s20 =	simm.s32 $0x5  }
0xf: {  	s21 =	simm.s32 $0x100;
	s19 =	sshrl.u32 s9, $0x3;
	s11 =	sshrl.u32 s11, $0x3  }
0x10: {  	s2 =	sadd.s32 s0, s2;
	s23 =	sadd.s32 $0x10, s8;
	s13 =	smax.u32 s13, $0x1  }
0x11: {  	s26 =	sadd.s32 $0x180, s9;
	s14 =	sadd.s32 s5, s19;
	[dreg:$0x5] =	wrdreg s23  }
0x12: {  	s0 =	sadd.s32 s0, s11;
	s24 =	sadd.s32 $0x25080, s2;
	s2 =	sshrl.u32 s26, $0x3  }
0x13: {  	s19 =	sshrl.u32 @!p0 s7, $0x3;
	s23 =	simm.s32 $0x200;
	[dreg:$0x3] =	wrdreg s14  }
0x14: {  	s26 =	simm.s32 $0x2200;
	s22 =	sadd.s32 $0x10, s14;
	[dreg:$0x6] =	wrdreg s0  }
0x15: {  	[dreg:$0x7] =	wrdreg s24;
	s14 =	sadd.s32 $0x100, s9;
	s16 =	sadd.s32 s2, s5  }
0x16: {  	s0 =	sshll.u32 @!p0 s18, $0x6;
	s24 =	simm.s32 $0x80;
	[dreg:$0x4] =	wrdreg s22  }
0x17: {  	s18 =	sor.u32 @!p0 $0x1C05, s0;
	s22 =	simm.s32 $0x40;
	s0 =	simm.s32 $0x0  }
.LBB2_1:
0x18: {  	s2 =	simm.s32 @p0 $0x1FC5  }
0x19: {  	[spmem:s17], [sflag:s2] =	dma.local @p0 [hbm:s6], $0x2100  }
0x1a: {  	s2 =	simm.s32 @p0 $0x5  }
0x1b: {  	_ =	swait.ge @p0 [sflag:s2], $0x2100  }
0x1c: {  	[sflag:s2] =	ssyncset.done @p0 $0x0  }
0x1d: {  	[sflag:s2] =	ssyncadd.s32 @p0 $0xFFFFDF00;
	s2 =	simm.s32 @!p0 $0x5  }
0x1e: {  	[spmem:s19], [sflag:s18] =	dma.local @!p0 [hbm:s6], $0x2780  }
0x1f: {  	_ =	swait.ge @!p0 [sflag:s2], $0x2780  }
0x20: {  	[sflag:s2] =	ssyncset.done @!p0 $0x0  }
0x21: {  	[sflag:s2] =	ssyncadd.s32 @!p0 $0xFFFFD880  }
0x22: {  	[bflag:$0x0] =	sbarrier.arrive $0xFFFF  }
0x23: {  	s12 =	rddreg [dreg:$0x3]  }
0x24: {  	[tilespmem:s3], [sflag:$0x5] =	stream.linear.gather [hbm4b:s12+s3], $0x80, $0x38;
	[tilespmem:$0x17AC0] =	vst v63  }
0x25: {  	_ =	swait.ge [sflag:s20], $0x80  }
0x26: {  	[sflag:s20] =	ssyncset.done $0x0  }
0x27: {  	[sflag:s20] =	ssyncadd.s32 $0xFFFFFF80  }
0x28: {  	[tilespmem:s21], [sflag:$0x5] =	stream.linear.gather [hbm4b:s8+s3], $0x80, $0x38;
	[tilespmem:$0x17AC0] =	vst v63  }
0x29: {  	_ =	swait.ge [sflag:s20], $0x80  }
0x2a: {  	[sflag:s20] =	ssyncset.done $0x0  }
0x2b: {  	[sflag:s20] =	ssyncadd.s32 $0xFFFFFF80  }
0x2c: {  	[tilespmem:s23], [sflag:$0x1] =	stream.indirect.gather [hbm4b:s4+s22], $0x80, s3, s22, $0xb8;
	[tilespmem:$0x17AC0] =	vst v63  }
0x2d: {  	s7 =	rddreg [dreg:$0x4]  }
0x2e: {  	[tilespmem:s24], [sflag:$0x5] =	stream.linear.gather [hbm4b:s7+s3], $0x80, $0x38;
	[tilespmem:$0x17AC0] =	vst v63  }
0x2f: {  	_ =	swait.ge [sflag:s20], $0x80  }
0x30: {  	[sflag:s20] =	ssyncset.done $0x0  }
0x31: {  	s9 =	rddreg [dreg:$0x5];
	[sflag:s20] =	ssyncadd.s32 $0xFFFFFF80  }
0x32: {  	[tilespmem:s25], [sflag:$0x5] =	stream.linear.gather [hbm4b:s9+s3], $0x80, $0x38;
	[tilespmem:$0x17AC0] =	vst v63  }
0x33: {  	_ =	swait.ge [sflag:s20], $0x80  }
0x34: {  	[sflag:s20] =	ssyncset.done $0x0  }
0x35: {  	[sflag:s20] =	ssyncadd.s32 $0xFFFFFF80  }
0x36: {  	[tilespmem:s26], [sflag:$0x2] =	stream.indirect.gather [hbm4b:s4+s22], $0x80, s24, s22, $0xb8;
	[tilespmem:$0x17AC0] =	vst v63  }
0x37: {  	_ =	swait.ge [sflag:s28], $0x2000  }
0x38: {  	s10 =	sshrl.u32 s14, $0x3;
	[sflag:s28] =	ssyncset.done $0x0  }
0x39: {  	s2 =	sadd.s32 s5, s10;
	[sflag:s28] =	ssyncadd.s32 $0xFFFFE000  }
0x3a: {  	[tilespmem:s3], [sflag:$0x3] =	stream.linear.gather [hbm4b:s2+s3], $0x80, $0x38;
	[tilespmem:$0x17AC0] =	vst v63  }
0x3b: {  	_ = 	snop  }
0x3c: {  	[spmem:s1] =	stream.indirect.scatter.add.f32 [tilespmem:s23], [sflag:$0x5], $0x80, s21, s22, $0xb8;
	[tilespmem:$0x17AC0] =	vst v63  }
0x3d: {  	_ =	swait.ge [sflag:s20], $0x2000  }
0x3e: {  	s11 =	sadd.s32 $0x0, s15;
	[sflag:s20] =	ssyncset.done $0x0  }
0x3f: {  	s7 =	sadd.s32 $0x20, s11;
	[sflag:s20] =	ssyncadd.s32 $0xFFFFE000  }
0x40: {  	[tilespmem:s21], [sflag:$0x5] =	stream.linear.gather [hbm4b:s7+s3], $0x80, $0x38;
	[tilespmem:$0x17AC0] =	vst v63  }
0x41: {  	_ =	swait.ge [sflag:s20], $0x80  }
0x42: {  	[sflag:s20] =	ssyncset.done $0x0  }
0x43: {  	[sflag:s20] =	ssyncadd.s32 $0xFFFFFF80  }
0x44: {  	_ =	swait.ge [sflag:s29], $0x80  }
0x45: {  	[sflag:s29] =	ssyncset.done $0x0  }
0x46: {  	[sflag:s29] =	ssyncadd.s32 $0xFFFFFF80  }
0x47: {  	[tilespmem:s23], [sflag:$0x1] =	stream.indirect.gather [hbm4b:s4+s22], $0x80, s3, s22, $0xb8;
	[tilespmem:$0x17AC0] =	vst v63  }
0x48: {  	_ =	swait.ge [sflag:s30], $0x2000  }
0x49: {  	[sflag:s30] =	ssyncset.done $0x0  }
0x4a: {  	s12 =	sadd.s32 $0x0, s16;
	[sflag:s30] =	ssyncadd.s32 $0xFFFFE000  }
0x4b: {  	[tilespmem:s24], [sflag:$0x4] =	stream.linear.gather [hbm4b:s12+s3], $0x80, $0x38;
	[tilespmem:$0x17AC0] =	vst v63  }
0x4c: {  	_ = 	snop  }
0x4d: {  	[spmem:s1] =	stream.indirect.scatter.add.f32 [tilespmem:s26], [sflag:$0x5], $0x80, s25, s22, $0xb8;
	[tilespmem:$0x17AC0] =	vst v63  }
0x4e: {  	_ =	swait.ge [sflag:s20], $0x2000  }
0x4f: {  	[sflag:s20] =	ssyncset.done $0x0  }
0x50: {  	s2 =	sadd.s32 $0x30, s11;
	[sflag:s20] =	ssyncadd.s32 $0xFFFFE000  }
0x51: {  	[tilespmem:s25], [sflag:$0x5] =	stream.linear.gather [hbm4b:s2+s3], $0x80, $0x38;
	[tilespmem:$0x17AC0] =	vst v63  }
0x52: {  	_ =	swait.ge [sflag:s20], $0x80  }
0x53: {  	[sflag:s20] =	ssyncset.done $0x0  }
0x54: {  	[sflag:s20] =	ssyncadd.s32 $0xFFFFFF80  }
0x55: {  	_ =	swait.ge [sflag:s31], $0x80  }
0x56: {  	[sflag:s31] =	ssyncset.done $0x0  }
0x57: {  	[sflag:s31] =	ssyncadd.s32 $0xFFFFFF80  }
0x58: {  	[tilespmem:s26], [sflag:$0x2] =	stream.indirect.gather [hbm4b:s4+s22], $0x80, s24, s22, $0xb8;
	[tilespmem:$0x17AC0] =	vst v63  }
0x59: {  	s10 =	simm.s32 $0x40;
	s9 =	sadd.s32 $0x100, s14;
	_ =	swait.ge [sflag:s28], $0x2000  }
0x5a: {  	s7 =	sshrl.u32 s9, $0x3;
	s2 =	simm.s32 $0x20;
	[sflag:s28] =	ssyncset.done $0x0  }
.LBB2_2:
0x5b: {  	p1 =	sne.s32 s10, $0x9A0;
	s7 =	sadd.s32 s5, s7;
	[sflag:s28] =	ssyncadd.s32 $0xFFFFE000  }
0x5c: {  	[tilespmem:s3], [sflag:$0x3] =	stream.linear.gather [hbm4b:s7+s3], $0x80, $0x38;
	[tilespmem:$0x17AC0] =	vst v63  }
0x5d: {  	s7 =	smov.u32 s10;
	s10 =	sadd.s32 $0x20, s10  }
0x5e: {  	[spmem:s1] =	stream.indirect.scatter.add.f32 [tilespmem:s23], [sflag:$0x5], $0x80, s21, s22, $0xb8;
	[tilespmem:$0x17AC0] =	vst v63  }
0x5f: {  	_ =	swait.ge [sflag:s20], $0x2000  }
0x60: {  	s11 =	sadd.s32 s2, s15;
	[sflag:s20] =	ssyncset.done $0x0  }
0x61: {  	s12 =	sadd.s32 $0x20, s11;
	[sflag:s20] =	ssyncadd.s32 $0xFFFFE000  }
0x62: {  	[tilespmem:s21], [sflag:$0x5] =	stream.linear.gather [hbm4b:s12+s3], $0x80, $0x38;
	[tilespmem:$0x17AC0] =	vst v63  }
0x63: {  	_ =	swait.ge [sflag:s20], $0x80  }
0x64: {  	[sflag:s20] =	ssyncset.done $0x0  }
0x65: {  	[sflag:s20] =	ssyncadd.s32 $0xFFFFFF80  }
0x66: {  	_ =	swait.ge [sflag:s29], $0x80  }
0x67: {  	[sflag:s29] =	ssyncset.done $0x0  }
0x68: {  	[sflag:s29] =	ssyncadd.s32 $0xFFFFFF80  }
0x69: {  	[tilespmem:s23], [sflag:$0x1] =	stream.indirect.gather [hbm4b:s4+s22], $0x80, s3, s22, $0xb8;
	[tilespmem:$0x17AC0] =	vst v63  }
0x6a: {  	_ =	swait.ge [sflag:s30], $0x2000  }
0x6b: {  	[sflag:s30] =	ssyncset.done $0x0  }
0x6c: {  	s12 =	sadd.s32 s2, s16;
	s2 =	smov.u32 s7;
	[sflag:s30] =	ssyncadd.s32 $0xFFFFE000  }
0x6d: {  	[tilespmem:s24], [sflag:$0x4] =	stream.linear.gather [hbm4b:s12+s3], $0x80, $0x38;
	[tilespmem:$0x17AC0] =	vst v63  }
0x6e: {  	_ = 	snop  }
0x6f: {  	[spmem:s1] =	stream.indirect.scatter.add.f32 [tilespmem:s26], [sflag:$0x5], $0x80, s25, s22, $0xb8;
	[tilespmem:$0x17AC0] =	vst v63  }
0x70: {  	_ =	swait.ge [sflag:s20], $0x2000  }
0x71: {  	[sflag:s20] =	ssyncset.done $0x0  }
0x72: {  	s7 =	sadd.s32 $0x30, s11;
	[sflag:s20] =	ssyncadd.s32 $0xFFFFE000  }
0x73: {  	[tilespmem:s25], [sflag:$0x5] =	stream.linear.gather [hbm4b:s7+s3], $0x80, $0x38;
	[tilespmem:$0x17AC0] =	vst v63  }
0x74: {  	_ =	swait.ge [sflag:s20], $0x80  }
0x75: {  	[sflag:s20] =	ssyncset.done $0x0  }
0x76: {  	[sflag:s20] =	ssyncadd.s32 $0xFFFFFF80  }
0x77: {  	_ =	swait.ge [sflag:s31], $0x80  }
.Ltmp0:
0x78: {  	[sflag:s31] =	ssyncset.done $0x0;
	(pc) =	sbr.rel @p1 .LBB2_2-.Ltmp0, $4  }
0x79: {  	[sflag:s31] =	ssyncadd.s32 $0xFFFFFF80  }
0x7a: {  	[tilespmem:s26], [sflag:$0x2] =	stream.indirect.gather [hbm4b:s4+s22], $0x80, s24, s22, $0xb8;
	[tilespmem:$0x17AC0] =	vst v63  }
0x7b: {  	s9 =	sadd.s32 $0x100, s9;
	_ =	swait.ge [sflag:s28], $0x2000  }
0x7c: {  	s7 =	sshrl.u32 s9, $0x3;
	[sflag:s28] =	ssyncset.done $0x0  }
0x7d: {  	s7 =	sadd.s32 s5, s7;
	[sflag:s28] =	ssyncadd.s32 $0xFFFFE000  }
0x7e: {  	[tilespmem:s3], [sflag:$0x3] =	stream.linear.gather [hbm4b:s7+s3], $0x80, $0x38;
	[tilespmem:$0x17AC0] =	vst v63  }
0x7f: {  	_ = 	snop  }
0x80: {  	[spmem:s1] =	stream.indirect.scatter.add.f32 [tilespmem:s23], [sflag:$0x5], $0x80, s21, s22, $0xb8;
	[tilespmem:$0x17AC0] =	vst v63  }
0x81: {  	_ =	swait.ge [sflag:s20], $0x2000  }
0x82: {  	s10 =	sadd.s32 s2, s15;
	[sflag:s20] =	ssyncset.done $0x0  }
0x83: {  	s9 =	sadd.s32 $0x20, s10;
	[sflag:s20] =	ssyncadd.s32 $0xFFFFE000  }
0x84: {  	[tilespmem:s21], [sflag:$0x5] =	stream.linear.gather [hbm4b:s9+s3], $0x80, $0x38;
	[tilespmem:$0x17AC0] =	vst v63  }
0x85: {  	_ =	swait.ge [sflag:s20], $0x80  }
0x86: {  	[sflag:s20] =	ssyncset.done $0x0  }
0x87: {  	[sflag:s20] =	ssyncadd.s32 $0xFFFFFF80  }
0x88: {  	_ =	swait.ge [sflag:s29], $0x80  }
0x89: {  	[sflag:s29] =	ssyncset.done $0x0  }
0x8a: {  	[sflag:s29] =	ssyncadd.s32 $0xFFFFFF80  }
0x8b: {  	[tilespmem:s23], [sflag:$0x1] =	stream.indirect.gather [hbm4b:s4+s22], $0x80, s3, s22, $0xb8;
	[tilespmem:$0x17AC0] =	vst v63  }
0x8c: {  	_ =	swait.ge [sflag:s30], $0x2000  }
0x8d: {  	[sflag:s30] =	ssyncset.done $0x0  }
0x8e: {  	s11 =	sadd.s32 s2, s16;
	[sflag:s30] =	ssyncadd.s32 $0xFFFFE000  }
0x8f: {  	[tilespmem:s24], [sflag:$0x4] =	stream.linear.gather [hbm4b:s11+s3], $0x80, $0x38;
	[tilespmem:$0x17AC0] =	vst v63  }
0x90: {  	_ = 	snop  }
0x91: {  	[spmem:s1] =	stream.indirect.scatter.add.f32 [tilespmem:s26], [sflag:$0x5], $0x80, s25, s22, $0xb8;
	[tilespmem:$0x17AC0] =	vst v63  }
0x92: {  	_ =	swait.ge [sflag:s20], $0x2000  }
0x93: {  	[sflag:s20] =	ssyncset.done $0x0  }
0x94: {  	s12 =	sadd.s32 $0x30, s10;
	[sflag:s20] =	ssyncadd.s32 $0xFFFFE000  }
0x95: {  	[tilespmem:s25], [sflag:$0x5] =	stream.linear.gather [hbm4b:s12+s3], $0x80, $0x38;
	[tilespmem:$0x17AC0] =	vst v63  }
0x96: {  	_ =	swait.ge [sflag:s20], $0x80  }
0x97: {  	[sflag:s20] =	ssyncset.done $0x0  }
0x98: {  	[sflag:s20] =	ssyncadd.s32 $0xFFFFFF80  }
0x99: {  	_ =	swait.ge [sflag:s31], $0x80  }
0x9a: {  	[sflag:s31] =	ssyncset.done $0x0  }
0x9b: {  	[sflag:s31] =	ssyncadd.s32 $0xFFFFFF80  }
0x9c: {  	[tilespmem:s26], [sflag:$0x2] =	stream.indirect.gather [hbm4b:s4+s22], $0x80, s24, s22, $0xb8;
	[tilespmem:$0x17AC0] =	vst v63  }
0x9d: {  	_ =	swait.ge [sflag:s28], $0x2000  }
0x9e: {  	[sflag:s28] =	ssyncset.done $0x0  }
0x9f: {  	[sflag:s28] =	ssyncadd.s32 $0xFFFFE000  }
0xa0: {  	[spmem:s1] =	stream.indirect.scatter.add.f32 [tilespmem:s23], [sflag:$0x5], $0x80, s21, s22, $0xb8;
	[tilespmem:$0x17AC0] =	vst v63  }
0xa1: {  	_ =	swait.ge [sflag:s20], $0x2000  }
0xa2: {  	[sflag:s20] =	ssyncset.done $0x0  }
0xa3: {  	[sflag:s20] =	ssyncadd.s32 $0xFFFFE000  }
0xa4: {  	_ =	swait.ge [sflag:s30], $0x2000  }
0xa5: {  	[sflag:s30] =	ssyncset.done $0x0  }
0xa6: {  	[sflag:s30] =	ssyncadd.s32 $0xFFFFE000  }
0xa7: {  	[spmem:s1] =	stream.indirect.scatter.add.f32 [tilespmem:s26], [sflag:$0x5], $0x80, s25, s22, $0xb8;
	[tilespmem:$0x17AC0] =	vst v63  }
0xa8: {  	_ =	swait.ge [sflag:s20], $0x2000  }
0xa9: {  	[sflag:s20] =	ssyncset.done $0x0  }
0xaa: {  	[sflag:s20] =	ssyncadd.s32 $0xFFFFE000  }
0xab: {  	[bflag:$0x0] =	sbarrier.arrive $0xFFFF  }
0xac: {  	s2 =	simm.s32 @p0 $0x1FC5;
	s7 =	rddreg [dreg:$0x7]  }
0xad: {  	[hbm:s7], [sflag:s2] =	dma.local @p0 [spmem:s17], $0x2080  }
0xae: {  	s2 =	simm.s32 @p0 $0x5  }
0xaf: {  	_ =	swait.ge @p0 [sflag:s2], $0x2080  }
0xb0: {  	s0 =	sadd.s32 $0x1, s0;
	[sflag:s2] =	ssyncset.done @p0 $0x0  }
0xb1: {  	p1 =	sne.s32 s0, s13;
	[sflag:s2] =	ssyncadd.s32 @p0 $0xFFFFDF80;
	s2 =	rddreg [dreg:$0x6]  }
0xb2: {  	[hbm:s2], [sflag:s18] =	dma.local @!p0 [spmem:s19], $0x2780  }
.Ltmp1:
0xb3: {  	_ = 	snop;
	(pc) =	sbr.rel @p1 .LBB2_1-.Ltmp1, $4  }
0xb4: {  	s2 =	simm.s32 @!p0 $0x5  }
0xb5: {  	_ =	swait.ge @!p0 [sflag:s2], $0x2780  }
0xb6: {  	[sflag:s2] =	ssyncset.done @!p0 $0x0  }
0xb7: {  	[sflag:s2] =	ssyncadd.s32 @!p0 $0xFFFFD880  }
0xb8: {  	_ =	sfence.sel $0x180000  }
0xb9: {  	[bflag:$0x0] =	sbarrier.arrive $0xFFFF  }
0xba: {  	_ =	strace $0x9000004A  }
0xbb: {  	s0 =	stileid.u32;
	[bflag:$0x2] =	sbarrier.arrive $0xFFFF  }
0xbc: {  	p0 =	sne.s32 s0, $0x0;
	s0 =	rddreg [dreg:$0x2]  }
0xbd: {  	s0 =	sadd.s32 @!p0 $0x100000, s0  }
0xbe: {  	[sflag:s0] =	ssyncadd.tile.s32 @!p0 $0x1;
	_ =	shalt  }
.Lfunc_end2:
_tile_overlayer_lowered:
.L_overlay_start_2:
0xbf: {  	(tag) =	ssettag $0x2  }
0xc0: {  	s0 =	rddreg [dreg:$0x0];
	s2 =	stileid.u32  }
0xc1: {  	s1 =	rddreg [dreg:$0x1];
	p0 =	sne.s32 s2, $0x0  }
0xc2: {  	s3 =	rddreg [dreg:$0x2];
	[bflag:$0x3] =	sbarrier.arrive $0xFFFF;
	s2 =	simm.s32 @!p0 $0x1C05  }
0xc3: {  	[timem:s3], [sflag:s2] =	dma.local @!p0 [hbm:s0], s1  }
0xc4: {  	s0 =	simm.s32 @!p0 $0x5  }
0xc5: {  	_ =	swait.ge @!p0 [sflag:s0], s1  }
0xc6: {  	s1 =	ssub.s32 @!p0 $0x0, s1;
	[sflag:s0] =	ssyncset.done @!p0 $0x0  }
0xc7: {  	[sflag:s0] =	ssyncadd.s32 @!p0 s1  }
0xc8: {  	[bflag:$0x3] =	sbarrier.arrive $0xFFFF  }
0xc9: {  	_ =	shalt  }

// kernel: kernel.5.cloned.1.call-start
scs
__scs_entry_jumppad:
0x0: {  	(pc) =	sbr.rel $0x88, $3  }
0x1: {  	(tag) =	ssettag $0x0;
	lr =	simm.s32 $0x1  }
0x2: {  	[smem:$0x3F99] =	sst lr;
	_ =	strace $0xD0000000  }
0x3: {  	_ = 	snop  }
0x4: {  	_ = 	snop  }
0x5: {  	_ = 	snop  }
0x6: {  	_ = 	snop  }
0x7: {  	_ = 	snop  }
__scs_overlays_trampoline_lowered:
0x8: {  	[smem:$0x3FA8] =	sst s0  }
0x9: {  	[smem:$0x3FA9] =	sst s1  }
0xa: {  	[smem:$0x3FAA] =	sst s2  }
0xb: {  	[smem:$0x3FAB] =	sst s3  }
0xc: {  	[smem:$0x3FAC] =	sst s4  }
0xd: {  	[smem:$0x3FAD] =	sst s5  }
0xe: {  	[smem:$0x3FAE] =	sst s6  }
0xf: {  	[smem:$0x3FAF] =	sst s7  }
0x10: {  	[smem:$0x3FB0] =	sst s8  }
0x11: {  	[smem:$0x3FB1] =	sst s9;
	s0 =	simm.s32 @!p0 $0x0  }
0x12: {  	s1 =	sld [smem:$0x3F97];
	s0 =	simm.s32 @p0 $0x1  }
0x13: {  	[smem:$0x3FB2] =	sst s0;
	s0 =	simm.s32 @!p1 $0x0  }
0x14: {  	s2 =	sld [smem:$0x3F96];
	s0 =	simm.s32 @p1 $0x1  }
0x15: {  	[smem:$0x3FB3] =	sst s0;
	s0 =	simm.s32 @!p2 $0x0  }
0x16: {  	s3 =	sld [smem:$0x3FDB];
	s0 =	simm.s32 @p2 $0x1  }
0x17: {  	s4 =	simm.s32 $0x1BF5;
	[smem:$0x3FB5] =	sst s0  }
0x18: {  	s0 =	sld [smem:$0x3F98];
	_ =	swait.ge [sflag:s4], $0x0  }
0x19: {  	s7 =	sld [smem:$0x3F99]  }
0x1a: {  	s8 =	sadd.s32 $0xFFFFE003, lr  }
0x1b: {  	s9 =	sadd.s32 $0xFFFFFEF7, lr;
	s5 =	simm.s32 $0xFFFFFFFF;
	p2 =	slt.u32 s8, $0xFFFFF086  }
0x1c: {  	p1 =	slt.u32 s9, $0xF7A;
	s5 =	simm.s32 @!p2 $0x0  }
0x1d: {  	s5 =	simm.s32 @p1 $0x1;
	p0 =	seq.s32 s7, s2  }
0x1e: {  	s7 =	smul.u32 @!p0 $0xF7A, s2;
	p2 =	seq.s32 @!p0 s5, $0x0  }
0x1f: {  	s9 =	smul.u32 $0xF7A, s1;
	s8 =	simm.s32 @!p0 $0x1BF5;
	p2 =	por !p2, p0  }
0x20: {  	[sflag:s8] =	ssyncset.s32 @!p0 $0xFFFFF086;
	s6 =	sadd.s32 @!p0 s3, s7;
	s7 =	simm.s32 @!p0 $0x108  }
0x21: {  	s3 =	sadd.s32 s3, s9;
	s6 =	sadd.s32 @!p0 $0x88, s6;
	s7 =	simm.s32 @p2 $0x1082  }
0x22: {  	[simem:s7], [sflag:s8] =	dma.local @!p0 [hbm:s6], $0xF7A  }
0x23: {  	s9 =	sor.u32 $0xD0000000, s2;
	s6 =	simm.s32 $0x108;
	_ =	swait.ge @!p0 [sflag:s8], $0x0  }
0x24: {  	s3 =	sadd.s32 $0x88, s3;
	s6 =	simm.s32 @!p1 $0x1082;
	[sflag:s4] =	ssyncset.s32 $0xFFFFF086  }
0x25: {  	[simem:s6], [sflag:s4] =	dma.local [hbm:s3], $0xF7A  }
0x26: {  	[smem:$0x3F99] =	sst s1;
	(tag) =	ssettag s2;
	_ =	strace s9  }
0x27: {  	s1 =	sld [smem:$0x3FA9]  }
0x28: {  	s2 =	sld [smem:$0x3FAA]  }
0x29: {  	s4 =	sld [smem:$0x3FAC]  }
0x2a: {  	p0 =	seq.s32 s5, $0x0;
	s5 =	sld [smem:$0x3FAD]  }
0x2b: {  	s6 =	sld [smem:$0x3FAE]  }
0x2c: {  	s7 =	sld [smem:$0x3FAF]  }
0x2d: {  	s3 =	simm.s32 $0x108;
	s8 =	sld [smem:$0x3FB0]  }
0x2e: {  	s3 =	simm.s32 @!p0 $0x1082;
	s9 =	sld [smem:$0x3FB1]  }
0x2f: {  	lr =	sadd.s32 s0, s3;
	s0 =	sld [smem:$0x3FA8]  }
0x30: {  	s3 =	sld [smem:$0x3FAB]  }
0x31: {  	[smem:$0x3FB4] =	sst s10  }
0x32: {  	s10 =	sld [smem:$0x3FB2];
	_ =	sdelay $0x3  }
0x33: {  	p0 =	seq.s32 s10, $0x1;
	s10 =	sld [smem:$0x3FB4];
	_ =	sdelay $0x3  }
0x34: {  	[smem:$0x3FB4] =	sst s10  }
0x35: {  	s10 =	sld [smem:$0x3FB3];
	_ =	sdelay $0x3  }
0x36: {  	p1 =	seq.s32 s10, $0x1;
	s10 =	sld [smem:$0x3FB4];
	_ =	sdelay $0x3  }
0x37: {  	[smem:$0x3FB4] =	sst s10  }
0x38: {  	s10 =	sld [smem:$0x3FB5]  }
0x39: {  	_ = 	snop;
	(pc) =	sbr.ind lr, $3  }
0x3a: {  	_ = 	snop  }
0x3b: {  	_ = 	snop  }
0x3c: {  	p2 =	seq.s32 s10, $0x1;
	s10 =	sld [smem:$0x3FB4]  }
0x3d: {  	_ =	shalt  }
0x3e: {  	_ =	shalt  }
0x3f: {  	_ =	shalt  }
0x40: {  	_ =	shalt  }
0x41: {  	_ =	shalt  }
0x42: {  	_ =	shalt  }
0x43: {  	_ =	shalt  }
0x44: {  	_ =	shalt  }
0x45: {  	_ =	shalt  }
0x46: {  	_ =	shalt  }
0x47: {  	_ =	shalt  }
0x48: {  	_ =	shalt  }
0x49: {  	_ =	shalt  }
0x4a: {  	_ =	shalt  }
0x4b: {  	_ =	shalt  }
0x4c: {  	_ =	shalt  }
0x4d: {  	_ =	shalt  }
0x4e: {  	_ =	shalt  }
0x4f: {  	_ =	shalt  }
0x50: {  	_ =	shalt  }
0x51: {  	_ =	shalt  }
0x52: {  	_ =	shalt  }
0x53: {  	_ =	shalt  }
0x54: {  	_ =	shalt  }
0x55: {  	_ =	shalt  }
0x56: {  	_ =	shalt  }
0x57: {  	_ =	shalt  }
0x58: {  	_ =	shalt  }
0x59: {  	_ =	shalt  }
0x5a: {  	_ =	shalt  }
0x5b: {  	_ =	shalt  }
0x5c: {  	_ =	shalt  }
0x5d: {  	_ =	shalt  }
0x5e: {  	_ =	shalt  }
0x5f: {  	_ =	shalt  }
0x60: {  	_ =	shalt  }
0x61: {  	_ =	shalt  }
0x62: {  	_ =	shalt  }
0x63: {  	_ =	shalt  }
0x64: {  	_ =	shalt  }
0x65: {  	_ =	shalt  }
0x66: {  	_ =	shalt  }
0x67: {  	_ =	shalt  }
0x68: {  	_ =	shalt  }
0x69: {  	_ =	shalt  }
0x6a: {  	_ =	shalt  }
0x6b: {  	_ =	shalt  }
0x6c: {  	_ =	shalt  }
0x6d: {  	_ =	shalt  }
0x6e: {  	_ =	shalt  }
0x6f: {  	_ =	shalt  }
0x70: {  	_ =	shalt  }
0x71: {  	_ =	shalt  }
0x72: {  	_ =	shalt  }
0x73: {  	_ =	shalt  }
0x74: {  	_ =	shalt  }
0x75: {  	_ =	shalt  }
0x76: {  	_ =	shalt  }
0x77: {  	_ =	shalt  }
0x78: {  	_ =	shalt  }
0x79: {  	_ =	shalt  }
0x7a: {  	_ =	shalt  }
0x7b: {  	_ =	shalt  }
0x7c: {  	_ =	shalt  }
0x7d: {  	_ =	shalt  }
0x7e: {  	_ =	shalt  }
0x7f: {  	_ =	shalt  }
0x80: {  	_ =	shalt  }
0x81: {  	_ =	shalt  }
0x82: {  	_ =	shalt  }
0x83: {  	_ =	shalt  }
0x84: {  	_ =	shalt  }
0x85: {  	_ =	shalt  }
0x86: {  	_ =	shalt  }
0x87: {  	_ =	shalt  }
.Lfunc_end0:
.L_simem_size_0:
called_computation.1_lowered:
.L_overlay_start_0:
0x88: {  	s2 =	sld [smem:$0x3FD9]  }
0x89: {  	s3 =	sld [smem:$0x3FFE];
	_ =	sdelay $0x1  }
0x8a: {  	s1 =	srdreg.scid  }
0x8b: {  	s0 =	sand.u32 $0x1, s1  }
0x8c: {  	s16 =	sshll.u32 s0, $0xA;
	s2 =	sadd.s32 s3, s2  }
0x8d: {  	s2 =	sadd.s32 s2, s16  }
0x8e: {  	[smem:$0x3FC0] =	sst s2  }
0x8f: {  	_ = 	snop  }
0x90: {  	(tm) =	ssettm $0x1  }
0x91: {  	s17 =	sld [smem:$0x3FFB];
	_ =	sdelay $0x3  }
0x92: {  	_ =	strace s17  }
0x93: {  	s2 =	sld [smem:$0x3FFC];
	_ =	sdelay $0x3  }
0x94: {  	_ =	strace s2  }
0x95: {  	s2 =	sld [smem:$0x3FFD];
	_ =	sdelay $0x3  }
0x96: {  	_ =	strace s2  }
0x97: {  	_ =	strace $0x8FFFFFFF  }
0x98: {  	s18 =	sld [smem:$0x3FDB];
	_ =	sdelay $0x1  }
0x99: {  	s19 =	simm.s32 $_scs_section_size  }
0x9a: {  	s4 =	simm.s32 $_size__tile_overlayer_lowered;
	s5 =	simm.s32 $_tile_overlayer_lowered  }
0x9b: {  	s22 =	simm.s32 $0x1BFF;
	s21 =	sshll.u32 s5, $0x1;
	s2 =	sadd.s32 s19, s18  }
0x9c: {  	s6 =	simm.s32 $0x0;
	s20 =	sshll.u32 s4, $0x1;
	s4 =	sadd.s32 s21, s2  }
0x9d: {  	[timem:s6], [sflag:s22] =	dma.local [hbm:s4], s20  }
0x9e: {  	_ =	swait.ge [sflag:s22], s20  }
0x9f: {  	s3 =	ssub.s32 $0x0, s20;
	[sflag:s22] =	ssyncset.done $0x0  }
0xa0: {  	[sflag:s22] =	ssyncadd.s32 s3;
	_ =	sdelay $0x1  }
0xa1: {  	s23 =	simm.s32 $0x1B8B  }
0xa2: {  	_ =	swait.ge [sflag:s23], $0x1  }
0xa3: {  	[sflag:s23] =	ssyncset.done $0x0  }
0xa4: {  	s25 =	simm.s32 $0x1B8E;
	s24 =	sld [smem:$0x3FFE];
	[sflag:s23] =	ssyncadd.s32 $0xFFFFFFFF  }
0xa5: {  	s26 =	simm.s32 $execute0_lowered;
	[smem:$0x3FD2] =	sst s25  }
0xa6: {  	s4 =	sshll.u32 s26, $0x1;
	_ =	strace $0x80000046;
	[dreg:$0x1] =	wrdreg $0xFFFFFFFF  }
0xa7: {  	s28 =	simm.s32 $_size_execute0_lowered;
	s2 =	sadd.s32 s2, s4;
	[dreg:$0x0] =	wrdreg $0x0  }
0xa8: {  	s4 =	sshll.u32 s28, $0x1;
	[dreg:$0x2] =	wrdreg s2  }
0xa9: {  	[dreg:$0x3] =	wrdreg s4  }
0xaa: {  	[dreg:$0x4] =	wrdreg $0xC0  }
0xab: {  	_ =	task [dreg:s6], $0x5FFFF  }
0xac: {  	[dreg:$0x1] =	wrdreg $0xFFFFFFFF  }
0xad: {  	[dreg:$0x0] =	wrdreg $0x60  }
0xae: {  	[dreg:$0x2] =	wrdreg s24  }
0xaf: {  	[dreg:$0x3] =	wrdreg $0x17000  }
0xb0: {  	[dreg:$0x4] =	wrdreg $0x9  }
0xb1: {  	_ =	task.clear_ibuf [dreg:s6], $0x5FFFF;
	_ =	strace $0x90000046  }
0xb2: {  	s29 =	simm.s32 $0x9;
	_ =	strace $0x80000048  }
0xb3: {  	_ =	swait.ge [sflag:s29], $0x1  }
0xb4: {  	[sflag:s29] =	ssyncadd.s32 $0xFFFFFFFF  }
0xb5: {  	_ =	strace $0x90000048  }
0xb6: {  	_ =	sfence  }
0xb7: {  	s30 =	sld [smem:$0x0];
	_ =	sdelay $0x2  }
0xb8: {  	s31 =	sshll.u32 s1, $0xD;
	s1 =	sshrl.u32 s1, $0x2  }
0xb9: {  	s3 =	sand.u32 $0x4000, s31;
	s1 =	sadd.s32 s1, s30  }
0xba: {  	s0 =	sor.u32 s3, s0;
	s1 =	sshll.u32 s1, $0x11  }
0xbb: {  	s0 =	sor.u32 s1, s0  }
0xbc: {  	s0 =	sadd.s32 $0x8F2B, s0  }
0xbd: {  	[sflag:s0] =	ssyncadd.remote.s32 $0x1  }
0xbe: {  	_ =	sfence.sel $0xFFFF  }
0xbf: {  	[dreg:$0x0] =	wrdreg $0xFFFFFFFF;
	(pc) =	sbr.abs _section_cstart, $3  }
0xc0: {  	[dreg:$0x1] =	wrdreg $0xFFFFFFFF  }
0xc1: {  	_ =	task.clear_ibuf [dreg:s6], $0x2FFFF;
	_ =	strace $0x9FFFFFFF  }
0xc2: {  	(tm) =	ssettm $0x7FFFFFFF  }
0xc3: {  	_ =	shalt  }
tec
execute0_lowered:
.L_overlay_start_1:
0x0: {  	(tag) =	ssettag $0x1  }
0x1: {  	s0 =	srdreg.scid;
	s6 =	rddreg [dreg:$0x0]  }
0x2: {  	s2 =	rddreg [dreg:$0x1];
	s4 =	sand.u32 $0x1, s0  }
0x3: {  	s0 =	stileid.u32;
	s5 =	smul.u32 $0x14000, s4  }
0x4: {  	s1 =	rddreg [dreg:$0x2];
	s3 =	simm.s32 $0x0;
	s7 =	smul.u32 $0x1400, s0  }
0x5: {  	s12 =	simm.s32 $0x1400;
	s13 =	simm.s32 $0x80;
	s8 =	smul.u32 $0x280, s0  }
0x6: {  	s16 =	simm.s32 $0x0;
	[smem:$0x7FF] =	sst s3;
	s29 =	smul.u32 $0x2800, s4  }
0x7: {  	_ =	strace $0x80000047;
	s31 =	ssub.s32 $0x2, s4;
	s4 =	sadd.s32 $0x8800, s6  }
0x8: {  	s14 =	sshll.u32 s0, $0x6;
	s11 =	sshrl.u32 s31, $0x1;
	s5 =	sadd.s32 s7, s5  }
0x9: {  	s14 =	sor.u32 $0x1C01, s14;
	s30 =	sadd.s32 s8, s29;
	s5 =	sshrl.u32 s5, $0x3  }
0xa: {  	s11 =	ssub.s32 s31, s11;
	s10 =	sshrl.u32 s30, $0x3;
	s9 =	sadd.s32 s5, s6  }
0xb: {  	s5 =	sadd.s32 $0x8600, s6;
	s10 =	sadd.s32 s10, s6;
	s6 =	sadd.s32 s8, s2  }
0xc: {  	s7 =	sadd.s32 $0x3600, s9;
	s8 =	sadd.s32 $0x8A00, s10;
	s9 =	smax.u32 s11, $0x1  }
0xd: {  	s10 =	simm.s32 $0x1480;
	s11 =	simm.s32 $0x1;
	s15 =	sshrl.u32 s6, $0x3  }
.LBB2_1:
0xe: {  	[tilespmem:s10], [sflag:$0x1] =	stream.linear.gather [hbm4b:s5+s3], $0x280, $0x38;
	[tilespmem:$0x1980] =	vst v63  }
0xf: {  	_ =	swait.ge [sflag:s11], $0x280  }
0x10: {  	[sflag:s11] =	ssyncset.done $0x0  }
0x11: {  	[sflag:s11] =	ssyncadd.s32 $0xFFFFFD80  }
0x12: {  	[spmem:s6] =	stream.linear.scatter [tilespmem:s10], [sflag:$0x1], $0x280, $0x38;
	[tilespmem:$0x1980] =	vst v63  }
0x13: {  	_ =	swait.ge [sflag:s11], $0x280  }
0x14: {  	[sflag:s11] =	ssyncset.done $0x0  }
0x15: {  	[sflag:s11] =	ssyncadd.s32 $0xFFFFFD80  }
0x16: {  	[tilespmem:s12], [sflag:$0x1] =	stream.linear.gather [hbm4b:s4+s3], $0x80, $0x38;
	[tilespmem:$0x1980] =	vst v63  }
0x17: {  	_ =	swait.ge [sflag:s11], $0x80  }
0x18: {  	[sflag:s11] =	ssyncset.done $0x0  }
0x19: {  	[sflag:s11] =	ssyncadd.s32 $0xFFFFFF80  }
0x1a: {  	[tilespmem:s3], [sflag:$0x1] =	stream.linear.gather [hbm4b:s7+s3], $0x1400, $0x38;
	[tilespmem:$0x1980] =	vst v63  }
0x1b: {  	_ =	swait.ge [sflag:s11], $0x1400  }
0x1c: {  	[sflag:s11] =	ssyncset.done $0x0  }
0x1d: {  	[sflag:s11] =	ssyncadd.s32 $0xFFFFEC00  }
0x1e: {  	s17 =	simm.s32 $0x0;
	[bflag:$0x0] =	sbarrier.arrive $0xFFFF  }
0x1f: {  	[spmem:s2] =	stream.indirect.scatter.add.f32 [tilespmem:s12], [sflag:$0x1], $0x1, s17, s13, $0xb8;
	[tilespmem:$0x1980] =	vst v63  }
0x20: {  	_ =	swait.ge [sflag:s11], $0x80  }
0x21: {  	s17 =	simm.s32 $0x200;
	[sflag:s11] =	ssyncset.done $0x0  }
.LBB2_2:
0x22: {  	s18 =	sshra.s32 s17, $0x2;
	[sflag:s11] =	ssyncadd.s32 $0xFFFFFF80;
	p0 =	sne.s32 s17, $0x4E00  }
0x23: {  	[spmem:s2] =	stream.indirect.scatter.add.f32 [tilespmem:s12], [sflag:$0x1], $0x1, s18, s13, $0xb8;
	[tilespmem:$0x1980] =	vst v63  }
.Ltmp0:
0x24: {  	_ = 	snop;
	(pc) =	sbr.rel @p0 .LBB2_2-.Ltmp0, $4  }
0x25: {  	_ = 	snop  }
0x26: {  	s17 =	sadd.s32 $0x200, s17  }
0x27: {  	_ =	swait.ge [sflag:s11], $0x80  }
0x28: {  	[sflag:s11] =	ssyncset.done $0x0  }
0x29: {  	s16 =	sadd.s32 $0x1, s16  }
0x2a: {  	[sflag:s11] =	ssyncadd.s32 $0xFFFFFF80;
	p0 =	sne.s32 s16, s9  }
.Ltmp1:
0x2b: {  	[bflag:$0x0] =	sbarrier.arrive $0xFFFF;
	(pc) =	sbr.rel @p0 .LBB2_1-.Ltmp1, $4  }
0x2c: {  	[hbm:s8], [sflag:s14] =	dma.local [spmem:s15], $0x50  }
0x2d: {  	_ =	swait.ge [sflag:s11], $0x50  }
0x2e: {  	[sflag:s11] =	ssyncset.done $0x0  }
0x2f: {  	[sflag:s11] =	ssyncadd.s32 $0xFFFFFFB0  }
0x30: {  	_ =	sfence.sel $0x180000  }
0x31: {  	[bflag:$0x0] =	sbarrier.arrive $0xFFFF  }
0x32: {  	p0 =	sne.s32 s0, $0x0;
	_ =	strace $0x90000047  }
0x33: {  	s0 =	sadd.s32 @!p0 $0x100000, s1;
	[bflag:$0x2] =	sbarrier.arrive $0xFFFF  }
0x34: {  	[sflag:s0] =	ssyncadd.tile.s32 @!p0 $0x1;
	_ =	shalt  }
.Lfunc_end2:
_tile_overlayer_lowered:
.L_overlay_start_2:
0x35: {  	(tag) =	ssettag $0x2  }
0x36: {  	s0 =	rddreg [dreg:$0x0];
	s2 =	stileid.u32  }
0x37: {  	s1 =	rddreg [dreg:$0x1];
	p0 =	sne.s32 s2, $0x0  }
0x38: {  	s3 =	rddreg [dreg:$0x2];
	[bflag:$0x3] =	sbarrier.arrive $0xFFFF;
	s2 =	simm.s32 @!p0 $0x1C01  }
0x39: {  	[timem:s3], [sflag:s2] =	dma.local @!p0 [hbm:s0], s1  }
0x3a: {  	s0 =	simm.s32 @!p0 $0x1  }
0x3b: {  	_ =	swait.ge @!p0 [sflag:s0], s1  }
0x3c: {  	s1 =	ssub.s32 @!p0 $0x0, s1;
	[sflag:s0] =	ssyncset.done @!p0 $0x0  }
0x3d: {  	[sflag:s0] =	ssyncadd.s32 @!p0 s1  }
0x3e: {  	[bflag:$0x3] =	sbarrier.arrive $0xFFFF  }
0x3f: {  	_ =	shalt  }

</sc_bundles>
